<compile_context>
chip_gen: v7x
topology: tpu7x:2x2x1
jax: 0.10.2.dev20260603
libtpu: 0.0.44.dev20260713+nightly
codegen_flags: <defaults>
</compile_context>

<pallas_src>
import functools

import jax
import jax.numpy as jnp
from jax import lax
from jax.experimental import pallas as pl
from jax.experimental.pallas import tpu as pltpu
from jax.experimental.pallas import tpu_sc as plsc

_EMBED = 128
_Q = 65536
_B = 4096
_TOTAL = _EMBED * _Q
_NC = 2
_NS = 16
_NW = _NC * _NS
_PER_W = _TOTAL // _NW
_CHUNK = 32768
_NCHUNK = _PER_W // _CHUNK
_NBUF = 3


_ROWS_W = _EMBED // _NW if _EMBED >= _NW else 0
_CPR = _Q // _CHUNK


def _chunk_slice(i, base_row):
    row = base_row + i // _CPR
    col = (i % _CPR) * _CHUNK
    return (pl.ds(row, 1), pl.ds(col, _CHUNK))


@functools.partial(
    pl.kernel,
    out_type=jax.ShapeDtypeStruct((_EMBED, _Q), jnp.float32),
    mesh=plsc.VectorSubcoreMesh(core_axis_name="c", subcore_axis_name="s"),
    scratch_types=[pltpu.VMEM((_NBUF, 1, _CHUNK), jnp.float32)]
    + [pltpu.SemaphoreType.DMA] * (2 * _NBUF),
)
def _sc_copy(src, out, buf, rs0, rs1, rs2, ws0, ws1, ws2):
    rsem = (rs0, rs1, rs2)
    wsem = (ws0, ws1, ws2)
    wid = lax.axis_index("s") * _NC + lax.axis_index("c")
    base_row = wid * _ROWS_W
    reads = [None] * _NBUF
    writes = [None] * _NBUF
    reads[0] = pltpu.async_copy(
        src.at[_chunk_slice(0, base_row)], buf.at[0], rsem[0])
    for i in range(_NCHUNK):
        b = i % _NBUF
        nb = (i + 1) % _NBUF
        if i + 1 < _NCHUNK:
            if writes[nb] is not None:
                writes[nb].wait()
            reads[nb] = pltpu.async_copy(
                src.at[_chunk_slice(i + 1, base_row)], buf.at[nb], rsem[nb])
        reads[b].wait()
        writes[b] = pltpu.async_copy(
            buf.at[b], out.at[_chunk_slice(i, base_row)], wsem[b])
    for wdesc in writes:
        if wdesc is not None:
            wdesc.wait()


def _slab_body(ptr_ref, norm_ref, copied_ref, out_ref):
    del copied_ref
    out_ref[...] = norm_ref[...].T


def kernel(norm_vec, anorm_vec, temp, anorm_feats_queue, queue_ptr):
    copied = _sc_copy(anorm_feats_queue)
    new_queue = pl.pallas_call(
        _slab_body,
        grid_spec=pltpu.PrefetchScalarGridSpec(
            num_scalar_prefetch=1,
            grid=(1,),
            in_specs=[
                pl.BlockSpec((_B, _EMBED), lambda i, ptr: (0, 0)),
                pl.BlockSpec(memory_space=pltpu.HBM),
            ],
            out_specs=pl.BlockSpec((_EMBED, _B), lambda i, ptr: (0, ptr[0] // _B)),
        ),
        out_shape=jax.ShapeDtypeStruct((_EMBED, _Q), jnp.float32),
        input_output_aliases={2: 0},
    )(queue_ptr, norm_vec, copied)
    new_ptr = ((queue_ptr + _B) % _Q).astype(jnp.int32)
    loss = jnp.asarray(0.0, dtype=jnp.float32)
    return loss, new_queue, new_ptr

# --- scband reference (transcript-rebuilt; emitter-appended) ---
"""Pipeline reference for scband-memory-bank-43696997269642 (READ-ONLY COPY).

The authoritative reference and input builder live on the scoring server;
editing this copy changes nothing except your own understanding.
"""

import jax, jax.numpy as jnp
import numpy as np

EMBED_DIM = 128
QUEUE_SIZE = 65536
BATCH = 4096

def setup_inputs(seed: int = 0) -> dict:
    key = jax.random.key(seed)
    k1, k2, k3 = jax.random.split(key, 3)
    norm_vec = jax.random.normal(k1, (BATCH, EMBED_DIM), dtype=jnp.float32)
    anorm_vec = jax.random.normal(k2, (BATCH, EMBED_DIM), dtype=jnp.float32)
    q = jax.random.normal(k3, (EMBED_DIM, QUEUE_SIZE), dtype=jnp.float32)
    # module normalizes the queue along dim 0 at init
    q = q / jnp.linalg.norm(q, axis=0, keepdims=True)
    temp = jnp.asarray(0.07, dtype=jnp.float32)
    queue_ptr = jnp.zeros((1,), dtype=jnp.int32)
    return {
        'norm_vec': norm_vec,
        'anorm_vec': anorm_vec,
        'temp': temp,
        'anorm_feats_queue': q,
        'queue_ptr': queue_ptr,
    }


def reference(norm_vec, anorm_vec, temp, anorm_feats_queue, queue_ptr):
    # with torch.no_grad(): self.temp.clamp_(0.001, 0.5)
    temp = jnp.clip(temp, 0.001, 0.5)
    # dequeue_and_enqueue(norm_vec): world_size == 1 -> concat_all_gather is identity
    gathered = norm_vec
    batch_size = norm_vec.shape[0]
    # queue_size % batch_size == 0 (asserted in the module)
    ptr = queue_ptr[0]
    cols = (ptr + jnp.arange(batch_size, dtype=jnp.int32)) % QUEUE_SIZE
    # scatter-overwrite: queue[:, ptr:ptr+batch] = gathered.T
    new_queue = anorm_feats_queue.at[:, cols].set(gathered.T)
    new_ptr = jnp.reshape((ptr + batch_size) % QUEUE_SIZE, (1,)).astype(jnp.int32)
    loss = jnp.asarray(0.0, dtype=jnp.float32)
    # torch forward returns loss = 0; the queue/ptr updates are in-place side
    # effects, returned here explicitly in functional style.
    return loss, new_queue, new_ptr

if __name__ == "__main__":
    import jax
    _d = setup_inputs()
    print(jax.jit(kernel)(*tuple(_d.values())))

</pallas_src>

<mosaic_0001>
#map = affine_map<(d0, d1) -> (0, 0)>
module attributes {stable_mosaic.version = 14 : i64} {
  func.func @_sc_copy(%arg0: i32, %arg1: i32, %arg2: memref<128x65536xf32, #tpu.memory_space<hbm>>, %arg3: memref<128x65536xf32, #tpu.memory_space<hbm>>, %arg4: memref<3x1x32768xf32, #tpu.memory_space<vmem>>, %arg5: memref<!tpu.dma_semaphore, #tpu.memory_space<semaphore_mem>>, %arg6: memref<!tpu.dma_semaphore, #tpu.memory_space<semaphore_mem>>, %arg7: memref<!tpu.dma_semaphore, #tpu.memory_space<semaphore_mem>>, %arg8: memref<!tpu.dma_semaphore, #tpu.memory_space<semaphore_mem>>, %arg9: memref<!tpu.dma_semaphore, #tpu.memory_space<semaphore_mem>>, %arg10: memref<!tpu.dma_semaphore, #tpu.memory_space<semaphore_mem>>) attributes {dimension_semantics = [#tpu.dimension_semantics<core_parallel>, #tpu.dimension_semantics<subcore_parallel>], iteration_bounds = array<i64: 2, 16>, scalar_prefetch = 0 : i64, scratch_operands = 7 : i64, tpu.core_type = #tpu.core_type<sc_vector_subcore>, window_params = [{transform_indices = #map}, {transform_indices = #map}]} {
    %mul3A = arith.constant 2 : i32
    %mul3A_0 = arith.muli %arg1, %mul3A : i32
    %add3A = arith.addi %mul3A_0, %arg0 : i32
    %mul3A_1 = arith.constant 4 : i32
    %mul3A_2 = arith.muli %add3A, %mul3A_1 : i32
    %add3A_3 = arith.constant 0 : i32
    %add3A_4 = arith.addi %mul3A_2, %add3A_3 : i32
    %dma_start3A = arith.constant 0 : i32
    %dma_start3A_5 = arith.constant 0 : i32
    %dma_start3A_6 = arith.constant 0 : i32
    %dma_start3A_7 = tpu.memref_slice %arg4[%dma_start3A, %dma_start3A_5, %dma_start3A_6] : memref<3x1x32768xf32, #tpu.memory_space<vmem>> -> memref<1x1x32768xf32, #tpu.memory_space<vmem>>
    %dma_start3A_8 = tpu.memref_squeeze %dma_start3A_7 : memref<1x1x32768xf32, #tpu.memory_space<vmem>> -> memref<1x32768xf32, #tpu.memory_space<vmem>>
    %dma_start3A_9 = arith.constant 0 : i32
    %dma_start3A_10 = tpu.memref_slice %arg2[%add3A_4, %dma_start3A_9] : memref<128x65536xf32, #tpu.memory_space<hbm>> -> memref<1x32768xf32, #tpu.memory_space<hbm>>
    %dma_start3A_11 = arith.constant 0 : i32
    %dma_start3A_12 = arith.constant 0 : i32
    %dma_start3A_13 = tpu.memref_slice %arg4[%dma_start3A, %dma_start3A_11, %dma_start3A_12] : memref<3x1x32768xf32, #tpu.memory_space<vmem>> -> memref<1x1x32768xf32, #tpu.memory_space<vmem>>
    %dma_start3A_14 = tpu.memref_squeeze %dma_start3A_13 : memref<1x1x32768xf32, #tpu.memory_space<vmem>> -> memref<1x32768xf32, #tpu.memory_space<vmem>>
    %dma_start3A_15 = arith.constant 0 : i32
    %dma_start3A_16 = tpu.memref_slice %arg2[%add3A_4, %dma_start3A_15] : memref<128x65536xf32, #tpu.memory_space<hbm>> -> memref<1x32768xf32, #tpu.memory_space<hbm>>
    tpu.enqueue_dma source(%dma_start3A_16 : memref<1x32768xf32, #tpu.memory_space<hbm>>) target(%dma_start3A_14 : memref<1x32768xf32, #tpu.memory_space<vmem>>) target_semaphore(%arg5 : memref<!tpu.dma_semaphore, #tpu.memory_space<semaphore_mem>>)
    %add3A_17 = arith.constant 0 : i32
    %add3A_18 = arith.addi %mul3A_2, %add3A_17 : i32
    %dma_start3A_19 = arith.constant 1 : i32
    %dma_start3A_20 = arith.constant 0 : i32
    %dma_start3A_21 = arith.constant 0 : i32
    %dma_start3A_22 = tpu.memref_slice %arg4[%dma_start3A_19, %dma_start3A_20, %dma_start3A_21] : memref<3x1x32768xf32, #tpu.memory_space<vmem>> -> memref<1x1x32768xf32, #tpu.memory_space<vmem>>
    %dma_start3A_23 = tpu.memref_squeeze %dma_start3A_22 : memref<1x1x32768xf32, #tpu.memory_space<vmem>> -> memref<1x32768xf32, #tpu.memory_space<vmem>>
    %dma_start3A_24 = arith.constant 32768 : i32
    %dma_start3A_25 = tpu.memref_slice %arg2[%add3A_18, %dma_start3A_24] : memref<128x65536xf32, #tpu.memory_space<hbm>> -> memref<1x32768xf32, #tpu.memory_space<hbm>>
    %dma_start3A_26 = arith.constant 0 : i32
    %dma_start3A_27 = arith.constant 0 : i32
    %dma_start3A_28 = tpu.memref_slice %arg4[%dma_start3A_19, %dma_start3A_26, %dma_start3A_27] : memref<3x1x32768xf32, #tpu.memory_space<vmem>> -> memref<1x1x32768xf32, #tpu.memory_space<vmem>>
    %dma_start3A_29 = tpu.memref_squeeze %dma_start3A_28 : memref<1x1x32768xf32, #tpu.memory_space<vmem>> -> memref<1x32768xf32, #tpu.memory_space<vmem>>
    %dma_start3A_30 = arith.constant 32768 : i32
    %dma_start3A_31 = tpu.memref_slice %arg2[%add3A_18, %dma_start3A_30] : memref<128x65536xf32, #tpu.memory_space<hbm>> -> memref<1x32768xf32, #tpu.memory_space<hbm>>
    tpu.enqueue_dma source(%dma_start3A_31 : memref<1x32768xf32, #tpu.memory_space<hbm>>) target(%dma_start3A_29 : memref<1x32768xf32, #tpu.memory_space<vmem>>) target_semaphore(%arg6 : memref<!tpu.dma_semaphore, #tpu.memory_space<semaphore_mem>>)
    %dma_wait3A = arith.constant 0 : i32
    %dma_wait3A_32 = arith.constant 0 : i32
    %dma_wait3A_33 = arith.constant 0 : i32
    %dma_wait3A_34 = tpu.memref_slice %arg4[%dma_wait3A, %dma_wait3A_32, %dma_wait3A_33] : memref<3x1x32768xf32, #tpu.memory_space<vmem>> -> memref<1x1x32768xf32, #tpu.memory_space<vmem>>
    %dma_wait3A_35 = tpu.memref_squeeze %dma_wait3A_34 : memref<1x1x32768xf32, #tpu.memory_space<vmem>> -> memref<1x32768xf32, #tpu.memory_space<vmem>>
    %dma_wait3A_36 = arith.constant 0 : i32
    %dma_wait3A_37 = tpu.memref_slice %arg2[%add3A_4, %dma_wait3A_36] : memref<128x65536xf32, #tpu.memory_space<hbm>> -> memref<1x32768xf32, #tpu.memory_space<hbm>>
    %dma_wait3A_38 = arith.constant 0 : i32
    %dma_wait3A_39 = arith.constant 0 : i32
    %dma_wait3A_40 = tpu.memref_slice %arg4[%dma_wait3A, %dma_wait3A_38, %dma_wait3A_39] : memref<3x1x32768xf32, #tpu.memory_space<vmem>> -> memref<1x1x32768xf32, #tpu.memory_space<vmem>>
    %dma_wait3A_41 = tpu.memref_squeeze %dma_wait3A_40 : memref<1x1x32768xf32, #tpu.memory_space<vmem>> -> memref<1x32768xf32, #tpu.memory_space<vmem>>
    %dma_wait3A_42 = arith.constant 0 : i32
    %dma_wait3A_43 = tpu.memref_slice %arg2[%add3A_4, %dma_wait3A_42] : memref<128x65536xf32, #tpu.memory_space<hbm>> -> memref<1x32768xf32, #tpu.memory_space<hbm>>
    tpu.wait_dma2 semaphore(%arg5 : memref<!tpu.dma_semaphore, #tpu.memory_space<semaphore_mem>>) src(%dma_wait3A_43 : memref<1x32768xf32, #tpu.memory_space<hbm>>) dst(%dma_wait3A_41 : memref<1x32768xf32, #tpu.memory_space<vmem>>)
    %add3A_44 = arith.constant 0 : i32
    %add3A_45 = arith.addi %mul3A_2, %add3A_44 : i32
    %dma_start3A_46 = arith.constant 0 : i32
    %dma_start3A_47 = arith.constant 0 : i32
    %dma_start3A_48 = arith.constant 0 : i32
    %dma_start3A_49 = tpu.memref_slice %arg4[%dma_start3A_46, %dma_start3A_47, %dma_start3A_48] : memref<3x1x32768xf32, #tpu.memory_space<vmem>> -> memref<1x1x32768xf32, #tpu.memory_space<vmem>>
    %dma_start3A_50 = tpu.memref_squeeze %dma_start3A_49 : memref<1x1x32768xf32, #tpu.memory_space<vmem>> -> memref<1x32768xf32, #tpu.memory_space<vmem>>
    %dma_start3A_51 = arith.constant 0 : i32
    %dma_start3A_52 = tpu.memref_slice %arg3[%add3A_45, %dma_start3A_51] : memref<128x65536xf32, #tpu.memory_space<hbm>> -> memref<1x32768xf32, #tpu.memory_space<hbm>>
    %dma_start3A_53 = arith.constant 0 : i32
    %dma_start3A_54 = tpu.memref_slice %arg3[%add3A_45, %dma_start3A_53] : memref<128x65536xf32, #tpu.memory_space<hbm>> -> memref<1x32768xf32, #tpu.memory_space<hbm>>
    %dma_start3A_55 = arith.constant 0 : i32
    %dma_start3A_56 = arith.constant 0 : i32
    %dma_start3A_57 = tpu.memref_slice %arg4[%dma_start3A_46, %dma_start3A_55, %dma_start3A_56] : memref<3x1x32768xf32, #tpu.memory_space<vmem>> -> memref<1x1x32768xf32, #tpu.memory_space<vmem>>
    %dma_start3A_58 = tpu.memref_squeeze %dma_start3A_57 : memref<1x1x32768xf32, #tpu.memory_space<vmem>> -> memref<1x32768xf32, #tpu.memory_space<vmem>>
    tpu.enqueue_dma source(%dma_start3A_58 : memref<1x32768xf32, #tpu.memory_space<vmem>>) target(%dma_start3A_54 : memref<1x32768xf32, #tpu.memory_space<hbm>>) target_semaphore(%arg8 : memref<!tpu.dma_semaphore, #tpu.memory_space<semaphore_mem>>)
    %add3A_59 = arith.constant 1 : i32
    %add3A_60 = arith.addi %mul3A_2, %add3A_59 : i32
    %dma_start3A_61 = arith.constant 2 : i32
    %dma_start3A_62 = arith.constant 0 : i32
    %dma_start3A_63 = arith.constant 0 : i32
    %dma_start3A_64 = tpu.memref_slice %arg4[%dma_start3A_61, %dma_start3A_62, %dma_start3A_63] : memref<3x1x32768xf32, #tpu.memory_space<vmem>> -> memref<1x1x32768xf32, #tpu.memory_space<vmem>>
    %dma_start3A_65 = tpu.memref_squeeze %dma_start3A_64 : memref<1x1x32768xf32, #tpu.memory_space<vmem>> -> memref<1x32768xf32, #tpu.memory_space<vmem>>
    %dma_start3A_66 = arith.constant 0 : i32
    %dma_start3A_67 = tpu.memref_slice %arg2[%add3A_60, %dma_start3A_66] : memref<128x65536xf32, #tpu.memory_space<hbm>> -> memref<1x32768xf32, #tpu.memory_space<hbm>>
    %dma_start3A_68 = arith.constant 0 : i32
    %dma_start3A_69 = arith.constant 0 : i32
    %dma_start3A_70 = tpu.memref_slice %arg4[%dma_start3A_61, %dma_start3A_68, %dma_start3A_69] : memref<3x1x32768xf32, #tpu.memory_space<vmem>> -> memref<1x1x32768xf32, #tpu.memory_space<vmem>>
    %dma_start3A_71 = tpu.memref_squeeze %dma_start3A_70 : memref<1x1x32768xf32, #tpu.memory_space<vmem>> -> memref<1x32768xf32, #tpu.memory_space<vmem>>
    %dma_start3A_72 = arith.constant 0 : i32
    %dma_start3A_73 = tpu.memref_slice %arg2[%add3A_60, %dma_start3A_72] : memref<128x65536xf32, #tpu.memory_space<hbm>> -> memref<1x32768xf32, #tpu.memory_space<hbm>>
    tpu.enqueue_dma source(%dma_start3A_73 : memref<1x32768xf32, #tpu.memory_space<hbm>>) target(%dma_start3A_71 : memref<1x32768xf32, #tpu.memory_space<vmem>>) target_semaphore(%arg7 : memref<!tpu.dma_semaphore, #tpu.memory_space<semaphore_mem>>)
    %dma_wait3A_74 = arith.constant 1 : i32
    %dma_wait3A_75 = arith.constant 0 : i32
    %dma_wait3A_76 = arith.constant 0 : i32
    %dma_wait3A_77 = tpu.memref_slice %arg4[%dma_wait3A_74, %dma_wait3A_75, %dma_wait3A_76] : memref<3x1x32768xf32, #tpu.memory_space<vmem>> -> memref<1x1x32768xf32, #tpu.memory_space<vmem>>
    %dma_wait3A_78 = tpu.memref_squeeze %dma_wait3A_77 : memref<1x1x32768xf32, #tpu.memory_space<vmem>> -> memref<1x32768xf32, #tpu.memory_space<vmem>>
    %dma_wait3A_79 = arith.constant 32768 : i32
    %dma_wait3A_80 = tpu.memref_slice %arg2[%add3A_18, %dma_wait3A_79] : memref<128x65536xf32, #tpu.memory_space<hbm>> -> memref<1x32768xf32, #tpu.memory_space<hbm>>
    %dma_wait3A_81 = arith.constant 0 : i32
    %dma_wait3A_82 = arith.constant 0 : i32
    %dma_wait3A_83 = tpu.memref_slice %arg4[%dma_wait3A_74, %dma_wait3A_81, %dma_wait3A_82] : memref<3x1x32768xf32, #tpu.memory_space<vmem>> -> memref<1x1x32768xf32, #tpu.memory_space<vmem>>
    %dma_wait3A_84 = tpu.memref_squeeze %dma_wait3A_83 : memref<1x1x32768xf32, #tpu.memory_space<vmem>> -> memref<1x32768xf32, #tpu.memory_space<vmem>>
    %dma_wait3A_85 = arith.constant 32768 : i32
    %dma_wait3A_86 = tpu.memref_slice %arg2[%add3A_18, %dma_wait3A_85] : memref<128x65536xf32, #tpu.memory_space<hbm>> -> memref<1x32768xf32, #tpu.memory_space<hbm>>
    tpu.wait_dma2 semaphore(%arg6 : memref<!tpu.dma_semaphore, #tpu.memory_space<semaphore_mem>>) src(%dma_wait3A_86 : memref<1x32768xf32, #tpu.memory_space<hbm>>) dst(%dma_wait3A_84 : memref<1x32768xf32, #tpu.memory_space<vmem>>)
    %add3A_87 = arith.constant 0 : i32
    %add3A_88 = arith.addi %mul3A_2, %add3A_87 : i32
    %dma_start3A_89 = arith.constant 1 : i32
    %dma_start3A_90 = arith.constant 0 : i32
    %dma_start3A_91 = arith.constant 0 : i32
    %dma_start3A_92 = tpu.memref_slice %arg4[%dma_start3A_89, %dma_start3A_90, %dma_start3A_91] : memref<3x1x32768xf32, #tpu.memory_space<vmem>> -> memref<1x1x32768xf32, #tpu.memory_space<vmem>>
    %dma_start3A_93 = tpu.memref_squeeze %dma_start3A_92 : memref<1x1x32768xf32, #tpu.memory_space<vmem>> -> memref<1x32768xf32, #tpu.memory_space<vmem>>
    %dma_start3A_94 = arith.constant 32768 : i32
    %dma_start3A_95 = tpu.memref_slice %arg3[%add3A_88, %dma_start3A_94] : memref<128x65536xf32, #tpu.memory_space<hbm>> -> memref<1x32768xf32, #tpu.memory_space<hbm>>
    %dma_start3A_96 = arith.constant 32768 : i32
    %dma_start3A_97 = tpu.memref_slice %arg3[%add3A_88, %dma_start3A_96] : memref<128x65536xf32, #tpu.memory_space<hbm>> -> memref<1x32768xf32, #tpu.memory_space<hbm>>
    %dma_start3A_98 = arith.constant 0 : i32
    %dma_start3A_99 = arith.constant 0 : i32
    %dma_start3A_100 = tpu.memref_slice %arg4[%dma_start3A_89, %dma_start3A_98, %dma_start3A_99] : memref<3x1x32768xf32, #tpu.memory_space<vmem>> -> memref<1x1x32768xf32, #tpu.memory_space<vmem>>
    %dma_start3A_101 = tpu.memref_squeeze %dma_start3A_100 : memref<1x1x32768xf32, #tpu.memory_space<vmem>> -> memref<1x32768xf32, #tpu.memory_space<vmem>>
    tpu.enqueue_dma source(%dma_start3A_101 : memref<1x32768xf32, #tpu.memory_space<vmem>>) target(%dma_start3A_97 : memref<1x32768xf32, #tpu.memory_space<hbm>>) target_semaphore(%arg9 : memref<!tpu.dma_semaphore, #tpu.memory_space<semaphore_mem>>)
    %dma_wait3A_102 = arith.constant 0 : i32
    %dma_wait3A_103 = arith.constant 0 : i32
    %dma_wait3A_104 = arith.constant 0 : i32
    %dma_wait3A_105 = tpu.memref_slice %arg4[%dma_wait3A_102, %dma_wait3A_103, %dma_wait3A_104] : memref<3x1x32768xf32, #tpu.memory_space<vmem>> -> memref<1x1x32768xf32, #tpu.memory_space<vmem>>
    %dma_wait3A_106 = tpu.memref_squeeze %dma_wait3A_105 : memref<1x1x32768xf32, #tpu.memory_space<vmem>> -> memref<1x32768xf32, #tpu.memory_space<vmem>>
    %dma_wait3A_107 = arith.constant 0 : i32
    %dma_wait3A_108 = tpu.memref_slice %arg3[%add3A_45, %dma_wait3A_107] : memref<128x65536xf32, #tpu.memory_space<hbm>> -> memref<1x32768xf32, #tpu.memory_space<hbm>>
    %dma_wait3A_109 = arith.constant 0 : i32
    %dma_wait3A_110 = tpu.memref_slice %arg3[%add3A_45, %dma_wait3A_109] : memref<128x65536xf32, #tpu.memory_space<hbm>> -> memref<1x32768xf32, #tpu.memory_space<hbm>>
    %dma_wait3A_111 = arith.constant 0 : i32
    %dma_wait3A_112 = arith.constant 0 : i32
    %dma_wait3A_113 = tpu.memref_slice %arg4[%dma_wait3A_102, %dma_wait3A_111, %dma_wait3A_112] : memref<3x1x32768xf32, #tpu.memory_space<vmem>> -> memref<1x1x32768xf32, #tpu.memory_space<vmem>>
    %dma_wait3A_114 = tpu.memref_squeeze %dma_wait3A_113 : memref<1x1x32768xf32, #tpu.memory_space<vmem>> -> memref<1x32768xf32, #tpu.memory_space<vmem>>
    tpu.wait_dma2 semaphore(%arg8 : memref<!tpu.dma_semaphore, #tpu.memory_space<semaphore_mem>>) src(%dma_wait3A_114 : memref<1x32768xf32, #tpu.memory_space<vmem>>) dst(%dma_wait3A_110 : memref<1x32768xf32, #tpu.memory_space<hbm>>)
    %add3A_115 = arith.constant 1 : i32
    %add3A_116 = arith.addi %mul3A_2, %add3A_115 : i32
    %dma_start3A_117 = arith.constant 0 : i32
    %dma_start3A_118 = arith.constant 0 : i32
    %dma_start3A_119 = arith.constant 0 : i32
    %dma_start3A_120 = tpu.memref_slice %arg4[%dma_start3A_117, %dma_start3A_118, %dma_start3A_119] : memref<3x1x32768xf32, #tpu.memory_space<vmem>> -> memref<1x1x32768xf32, #tpu.memory_space<vmem>>
    %dma_start3A_121 = tpu.memref_squeeze %dma_start3A_120 : memref<1x1x32768xf32, #tpu.memory_space<vmem>> -> memref<1x32768xf32, #tpu.memory_space<vmem>>
    %dma_start3A_122 = arith.constant 32768 : i32
    %dma_start3A_123 = tpu.memref_slice %arg2[%add3A_116, %dma_start3A_122] : memref<128x65536xf32, #tpu.memory_space<hbm>> -> memref<1x32768xf32, #tpu.memory_space<hbm>>
    %dma_start3A_124 = arith.constant 0 : i32
    %dma_start3A_125 = arith.constant 0 : i32
    %dma_start3A_126 = tpu.memref_slice %arg4[%dma_start3A_117, %dma_start3A_124, %dma_start3A_125] : memref<3x1x32768xf32, #tpu.memory_space<vmem>> -> memref<1x1x32768xf32, #tpu.memory_space<vmem>>
    %dma_start3A_127 = tpu.memref_squeeze %dma_start3A_126 : memref<1x1x32768xf32, #tpu.memory_space<vmem>> -> memref<1x32768xf32, #tpu.memory_space<vmem>>
    %dma_start3A_128 = arith.constant 32768 : i32
    %dma_start3A_129 = tpu.memref_slice %arg2[%add3A_116, %dma_start3A_128] : memref<128x65536xf32, #tpu.memory_space<hbm>> -> memref<1x32768xf32, #tpu.memory_space<hbm>>
    tpu.enqueue_dma source(%dma_start3A_129 : memref<1x32768xf32, #tpu.memory_space<hbm>>) target(%dma_start3A_127 : memref<1x32768xf32, #tpu.memory_space<vmem>>) target_semaphore(%arg5 : memref<!tpu.dma_semaphore, #tpu.memory_space<semaphore_mem>>)
    %dma_wait3A_130 = arith.constant 2 : i32
    %dma_wait3A_131 = arith.constant 0 : i32
    %dma_wait3A_132 = arith.constant 0 : i32
    %dma_wait3A_133 = tpu.memref_slice %arg4[%dma_wait3A_130, %dma_wait3A_131, %dma_wait3A_132] : memref<3x1x32768xf32, #tpu.memory_space<vmem>> -> memref<1x1x32768xf32, #tpu.memory_space<vmem>>
    %dma_wait3A_134 = tpu.memref_squeeze %dma_wait3A_133 : memref<1x1x32768xf32, #tpu.memory_space<vmem>> -> memref<1x32768xf32, #tpu.memory_space<vmem>>
    %dma_wait3A_135 = arith.constant 0 : i32
    %dma_wait3A_136 = tpu.memref_slice %arg2[%add3A_60, %dma_wait3A_135] : memref<128x65536xf32, #tpu.memory_space<hbm>> -> memref<1x32768xf32, #tpu.memory_space<hbm>>
    %dma_wait3A_137 = arith.constant 0 : i32
    %dma_wait3A_138 = arith.constant 0 : i32
    %dma_wait3A_139 = tpu.memref_slice %arg4[%dma_wait3A_130, %dma_wait3A_137, %dma_wait3A_138] : memref<3x1x32768xf32, #tpu.memory_space<vmem>> -> memref<1x1x32768xf32, #tpu.memory_space<vmem>>
    %dma_wait3A_140 = tpu.memref_squeeze %dma_wait3A_139 : memref<1x1x32768xf32, #tpu.memory_space<vmem>> -> memref<1x32768xf32, #tpu.memory_space<vmem>>
    %dma_wait3A_141 = arith.constant 0 : i32
    %dma_wait3A_142 = tpu.memref_slice %arg2[%add3A_60, %dma_wait3A_141] : memref<128x65536xf32, #tpu.memory_space<hbm>> -> memref<1x32768xf32, #tpu.memory_space<hbm>>
    tpu.wait_dma2 semaphore(%arg7 : memref<!tpu.dma_semaphore, #tpu.memory_space<semaphore_mem>>) src(%dma_wait3A_142 : memref<1x32768xf32, #tpu.memory_space<hbm>>) dst(%dma_wait3A_140 : memref<1x32768xf32, #tpu.memory_space<vmem>>)
    %add3A_143 = arith.constant 1 : i32
    %add3A_144 = arith.addi %mul3A_2, %add3A_143 : i32
    %dma_start3A_145 = arith.constant 2 : i32
    %dma_start3A_146 = arith.constant 0 : i32
    %dma_start3A_147 = arith.constant 0 : i32
    %dma_start3A_148 = tpu.memref_slice %arg4[%dma_start3A_145, %dma_start3A_146, %dma_start3A_147] : memref<3x1x32768xf32, #tpu.memory_space<vmem>> -> memref<1x1x32768xf32, #tpu.memory_space<vmem>>
    %dma_start3A_149 = tpu.memref_squeeze %dma_start3A_148 : memref<1x1x32768xf32, #tpu.memory_space<vmem>> -> memref<1x32768xf32, #tpu.memory_space<vmem>>
    %dma_start3A_150 = arith.constant 0 : i32
    %dma_start3A_151 = tpu.memref_slice %arg3[%add3A_144, %dma_start3A_150] : memref<128x65536xf32, #tpu.memory_space<hbm>> -> memref<1x32768xf32, #tpu.memory_space<hbm>>
    %dma_start3A_152 = arith.constant 0 : i32
    %dma_start3A_153 = tpu.memref_slice %arg3[%add3A_144, %dma_start3A_152] : memref<128x65536xf32, #tpu.memory_space<hbm>> -> memref<1x32768xf32, #tpu.memory_space<hbm>>
    %dma_start3A_154 = arith.constant 0 : i32
    %dma_start3A_155 = arith.constant 0 : i32
    %dma_start3A_156 = tpu.memref_slice %arg4[%dma_start3A_145, %dma_start3A_154, %dma_start3A_155] : memref<3x1x32768xf32, #tpu.memory_space<vmem>> -> memref<1x1x32768xf32, #tpu.memory_space<vmem>>
    %dma_start3A_157 = tpu.memref_squeeze %dma_start3A_156 : memref<1x1x32768xf32, #tpu.memory_space<vmem>> -> memref<1x32768xf32, #tpu.memory_space<vmem>>
    tpu.enqueue_dma source(%dma_start3A_157 : memref<1x32768xf32, #tpu.memory_space<vmem>>) target(%dma_start3A_153 : memref<1x32768xf32, #tpu.memory_space<hbm>>) target_semaphore(%arg10 : memref<!tpu.dma_semaphore, #tpu.memory_space<semaphore_mem>>)
    %dma_wait3A_158 = arith.constant 1 : i32
    %dma_wait3A_159 = arith.constant 0 : i32
    %dma_wait3A_160 = arith.constant 0 : i32
    %dma_wait3A_161 = tpu.memref_slice %arg4[%dma_wait3A_158, %dma_wait3A_159, %dma_wait3A_160] : memref<3x1x32768xf32, #tpu.memory_space<vmem>> -> memref<1x1x32768xf32, #tpu.memory_space<vmem>>
    %dma_wait3A_162 = tpu.memref_squeeze %dma_wait3A_161 : memref<1x1x32768xf32, #tpu.memory_space<vmem>> -> memref<1x32768xf32, #tpu.memory_space<vmem>>
    %dma_wait3A_163 = arith.constant 32768 : i32
    %dma_wait3A_164 = tpu.memref_slice %arg3[%add3A_88, %dma_wait3A_163] : memref<128x65536xf32, #tpu.memory_space<hbm>> -> memref<1x32768xf32, #tpu.memory_space<hbm>>
    %dma_wait3A_165 = arith.constant 32768 : i32
    %dma_wait3A_166 = tpu.memref_slice %arg3[%add3A_88, %dma_wait3A_165] : memref<128x65536xf32, #tpu.memory_space<hbm>> -> memref<1x32768xf32, #tpu.memory_space<hbm>>
    %dma_wait3A_167 = arith.constant 0 : i32
    %dma_wait3A_168 = arith.constant 0 : i32
    %dma_wait3A_169 = tpu.memref_slice %arg4[%dma_wait3A_158, %dma_wait3A_167, %dma_wait3A_168] : memref<3x1x32768xf32, #tpu.memory_space<vmem>> -> memref<1x1x32768xf32, #tpu.memory_space<vmem>>
    %dma_wait3A_170 = tpu.memref_squeeze %dma_wait3A_169 : memref<1x1x32768xf32, #tpu.memory_space<vmem>> -> memref<1x32768xf32, #tpu.memory_space<vmem>>
    tpu.wait_dma2 semaphore(%arg9 : memref<!tpu.dma_semaphore, #tpu.memory_space<semaphore_mem>>) src(%dma_wait3A_170 : memref<1x32768xf32, #tpu.memory_space<vmem>>) dst(%dma_wait3A_166 : memref<1x32768xf32, #tpu.memory_space<hbm>>)
    %add3A_171 = arith.constant 2 : i32
    %add3A_172 = arith.addi %mul3A_2, %add3A_171 : i32
    %dma_start3A_173 = arith.constant 1 : i32
    %dma_start3A_174 = arith.constant 0 : i32
    %dma_start3A_175 = arith.constant 0 : i32
    %dma_start3A_176 = tpu.memref_slice %arg4[%dma_start3A_173, %dma_start3A_174, %dma_start3A_175] : memref<3x1x32768xf32, #tpu.memory_space<vmem>> -> memref<1x1x32768xf32, #tpu.memory_space<vmem>>
    %dma_start3A_177 = tpu.memref_squeeze %dma_start3A_176 : memref<1x1x32768xf32, #tpu.memory_space<vmem>> -> memref<1x32768xf32, #tpu.memory_space<vmem>>
    %dma_start3A_178 = arith.constant 0 : i32
    %dma_start3A_179 = tpu.memref_slice %arg2[%add3A_172, %dma_start3A_178] : memref<128x65536xf32, #tpu.memory_space<hbm>> -> memref<1x32768xf32, #tpu.memory_space<hbm>>
    %dma_start3A_180 = arith.constant 0 : i32
    %dma_start3A_181 = arith.constant 0 : i32
    %dma_start3A_182 = tpu.memref_slice %arg4[%dma_start3A_173, %dma_start3A_180, %dma_start3A_181] : memref<3x1x32768xf32, #tpu.memory_space<vmem>> -> memref<1x1x32768xf32, #tpu.memory_space<vmem>>
    %dma_start3A_183 = tpu.memref_squeeze %dma_start3A_182 : memref<1x1x32768xf32, #tpu.memory_space<vmem>> -> memref<1x32768xf32, #tpu.memory_space<vmem>>
    %dma_start3A_184 = arith.constant 0 : i32
    %dma_start3A_185 = tpu.memref_slice %arg2[%add3A_172, %dma_start3A_184] : memref<128x65536xf32, #tpu.memory_space<hbm>> -> memref<1x32768xf32, #tpu.memory_space<hbm>>
    tpu.enqueue_dma source(%dma_start3A_185 : memref<1x32768xf32, #tpu.memory_space<hbm>>) target(%dma_start3A_183 : memref<1x32768xf32, #tpu.memory_space<vmem>>) target_semaphore(%arg6 : memref<!tpu.dma_semaphore, #tpu.memory_space<semaphore_mem>>)
    %dma_wait3A_186 = arith.constant 0 : i32
    %dma_wait3A_187 = arith.constant 0 : i32
    %dma_wait3A_188 = arith.constant 0 : i32
    %dma_wait3A_189 = tpu.memref_slice %arg4[%dma_wait3A_186, %dma_wait3A_187, %dma_wait3A_188] : memref<3x1x32768xf32, #tpu.memory_space<vmem>> -> memref<1x1x32768xf32, #tpu.memory_space<vmem>>
    %dma_wait3A_190 = tpu.memref_squeeze %dma_wait3A_189 : memref<1x1x32768xf32, #tpu.memory_space<vmem>> -> memref<1x32768xf32, #tpu.memory_space<vmem>>
    %dma_wait3A_191 = arith.constant 32768 : i32
    %dma_wait3A_192 = tpu.memref_slice %arg2[%add3A_116, %dma_wait3A_191] : memref<128x65536xf32, #tpu.memory_space<hbm>> -> memref<1x32768xf32, #tpu.memory_space<hbm>>
    %dma_wait3A_193 = arith.constant 0 : i32
    %dma_wait3A_194 = arith.constant 0 : i32
    %dma_wait3A_195 = tpu.memref_slice %arg4[%dma_wait3A_186, %dma_wait3A_193, %dma_wait3A_194] : memref<3x1x32768xf32, #tpu.memory_space<vmem>> -> memref<1x1x32768xf32, #tpu.memory_space<vmem>>
    %dma_wait3A_196 = tpu.memref_squeeze %dma_wait3A_195 : memref<1x1x32768xf32, #tpu.memory_space<vmem>> -> memref<1x32768xf32, #tpu.memory_space<vmem>>
    %dma_wait3A_197 = arith.constant 32768 : i32
    %dma_wait3A_198 = tpu.memref_slice %arg2[%add3A_116, %dma_wait3A_197] : memref<128x65536xf32, #tpu.memory_space<hbm>> -> memref<1x32768xf32, #tpu.memory_space<hbm>>
    tpu.wait_dma2 semaphore(%arg5 : memref<!tpu.dma_semaphore, #tpu.memory_space<semaphore_mem>>) src(%dma_wait3A_198 : memref<1x32768xf32, #tpu.memory_space<hbm>>) dst(%dma_wait3A_196 : memref<1x32768xf32, #tpu.memory_space<vmem>>)
    %add3A_199 = arith.constant 1 : i32
    %add3A_200 = arith.addi %mul3A_2, %add3A_199 : i32
    %dma_start3A_201 = arith.constant 0 : i32
    %dma_start3A_202 = arith.constant 0 : i32
    %dma_start3A_203 = arith.constant 0 : i32
    %dma_start3A_204 = tpu.memref_slice %arg4[%dma_start3A_201, %dma_start3A_202, %dma_start3A_203] : memref<3x1x32768xf32, #tpu.memory_space<vmem>> -> memref<1x1x32768xf32, #tpu.memory_space<vmem>>
    %dma_start3A_205 = tpu.memref_squeeze %dma_start3A_204 : memref<1x1x32768xf32, #tpu.memory_space<vmem>> -> memref<1x32768xf32, #tpu.memory_space<vmem>>
    %dma_start3A_206 = arith.constant 32768 : i32
    %dma_start3A_207 = tpu.memref_slice %arg3[%add3A_200, %dma_start3A_206] : memref<128x65536xf32, #tpu.memory_space<hbm>> -> memref<1x32768xf32, #tpu.memory_space<hbm>>
    %dma_start3A_208 = arith.constant 32768 : i32
    %dma_start3A_209 = tpu.memref_slice %arg3[%add3A_200, %dma_start3A_208] : memref<128x65536xf32, #tpu.memory_space<hbm>> -> memref<1x32768xf32, #tpu.memory_space<hbm>>
    %dma_start3A_210 = arith.constant 0 : i32
    %dma_start3A_211 = arith.constant 0 : i32
    %dma_start3A_212 = tpu.memref_slice %arg4[%dma_start3A_201, %dma_start3A_210, %dma_start3A_211] : memref<3x1x32768xf32, #tpu.memory_space<vmem>> -> memref<1x1x32768xf32, #tpu.memory_space<vmem>>
    %dma_start3A_213 = tpu.memref_squeeze %dma_start3A_212 : memref<1x1x32768xf32, #tpu.memory_space<vmem>> -> memref<1x32768xf32, #tpu.memory_space<vmem>>
    tpu.enqueue_dma source(%dma_start3A_213 : memref<1x32768xf32, #tpu.memory_space<vmem>>) target(%dma_start3A_209 : memref<1x32768xf32, #tpu.memory_space<hbm>>) target_semaphore(%arg8 : memref<!tpu.dma_semaphore, #tpu.memory_space<semaphore_mem>>)
    %dma_wait3A_214 = arith.constant 2 : i32
    %dma_wait3A_215 = arith.constant 0 : i32
    %dma_wait3A_216 = arith.constant 0 : i32
    %dma_wait3A_217 = tpu.memref_slice %arg4[%dma_wait3A_214, %dma_wait3A_215, %dma_wait3A_216] : memref<3x1x32768xf32, #tpu.memory_space<vmem>> -> memref<1x1x32768xf32, #tpu.memory_space<vmem>>
    %dma_wait3A_218 = tpu.memref_squeeze %dma_wait3A_217 : memref<1x1x32768xf32, #tpu.memory_space<vmem>> -> memref<1x32768xf32, #tpu.memory_space<vmem>>
    %dma_wait3A_219 = arith.constant 0 : i32
    %dma_wait3A_220 = tpu.memref_slice %arg3[%add3A_144, %dma_wait3A_219] : memref<128x65536xf32, #tpu.memory_space<hbm>> -> memref<1x32768xf32, #tpu.memory_space<hbm>>
    %dma_wait3A_221 = arith.constant 0 : i32
    %dma_wait3A_222 = tpu.memref_slice %arg3[%add3A_144, %dma_wait3A_221] : memref<128x65536xf32, #tpu.memory_space<hbm>> -> memref<1x32768xf32, #tpu.memory_space<hbm>>
    %dma_wait3A_223 = arith.constant 0 : i32
    %dma_wait3A_224 = arith.constant 0 : i32
    %dma_wait3A_225 = tpu.memref_slice %arg4[%dma_wait3A_214, %dma_wait3A_223, %dma_wait3A_224] : memref<3x1x32768xf32, #tpu.memory_space<vmem>> -> memref<1x1x32768xf32, #tpu.memory_space<vmem>>
    %dma_wait3A_226 = tpu.memref_squeeze %dma_wait3A_225 : memref<1x1x32768xf32, #tpu.memory_space<vmem>> -> memref<1x32768xf32, #tpu.memory_space<vmem>>
    tpu.wait_dma2 semaphore(%arg10 : memref<!tpu.dma_semaphore, #tpu.memory_space<semaphore_mem>>) src(%dma_wait3A_226 : memref<1x32768xf32, #tpu.memory_space<vmem>>) dst(%dma_wait3A_222 : memref<1x32768xf32, #tpu.memory_space<hbm>>)
    %add3A_227 = arith.constant 2 : i32
    %add3A_228 = arith.addi %mul3A_2, %add3A_227 : i32
    %dma_start3A_229 = arith.constant 2 : i32
    %dma_start3A_230 = arith.constant 0 : i32
    %dma_start3A_231 = arith.constant 0 : i32
    %dma_start3A_232 = tpu.memref_slice %arg4[%dma_start3A_229, %dma_start3A_230, %dma_start3A_231] : memref<3x1x32768xf32, #tpu.memory_space<vmem>> -> memref<1x1x32768xf32, #tpu.memory_space<vmem>>
    %dma_start3A_233 = tpu.memref_squeeze %dma_start3A_232 : memref<1x1x32768xf32, #tpu.memory_space<vmem>> -> memref<1x32768xf32, #tpu.memory_space<vmem>>
    %dma_start3A_234 = arith.constant 32768 : i32
    %dma_start3A_235 = tpu.memref_slice %arg2[%add3A_228, %dma_start3A_234] : memref<128x65536xf32, #tpu.memory_space<hbm>> -> memref<1x32768xf32, #tpu.memory_space<hbm>>
    %dma_start3A_236 = arith.constant 0 : i32
    %dma_start3A_237 = arith.constant 0 : i32
    %dma_start3A_238 = tpu.memref_slice %arg4[%dma_start3A_229, %dma_start3A_236, %dma_start3A_237] : memref<3x1x32768xf32, #tpu.memory_space<vmem>> -> memref<1x1x32768xf32, #tpu.memory_space<vmem>>
    %dma_start3A_239 = tpu.memref_squeeze %dma_start3A_238 : memref<1x1x32768xf32, #tpu.memory_space<vmem>> -> memref<1x32768xf32, #tpu.memory_space<vmem>>
    %dma_start3A_240 = arith.constant 32768 : i32
    %dma_start3A_241 = tpu.memref_slice %arg2[%add3A_228, %dma_start3A_240] : memref<128x65536xf32, #tpu.memory_space<hbm>> -> memref<1x32768xf32, #tpu.memory_space<hbm>>
    tpu.enqueue_dma source(%dma_start3A_241 : memref<1x32768xf32, #tpu.memory_space<hbm>>) target(%dma_start3A_239 : memref<1x32768xf32, #tpu.memory_space<vmem>>) target_semaphore(%arg7 : memref<!tpu.dma_semaphore, #tpu.memory_space<semaphore_mem>>)
    %dma_wait3A_242 = arith.constant 1 : i32
    %dma_wait3A_243 = arith.constant 0 : i32
    %dma_wait3A_244 = arith.constant 0 : i32
    %dma_wait3A_245 = tpu.memref_slice %arg4[%dma_wait3A_242, %dma_wait3A_243, %dma_wait3A_244] : memref<3x1x32768xf32, #tpu.memory_space<vmem>> -> memref<1x1x32768xf32, #tpu.memory_space<vmem>>
    %dma_wait3A_246 = tpu.memref_squeeze %dma_wait3A_245 : memref<1x1x32768xf32, #tpu.memory_space<vmem>> -> memref<1x32768xf32, #tpu.memory_space<vmem>>
    %dma_wait3A_247 = arith.constant 0 : i32
    %dma_wait3A_248 = tpu.memref_slice %arg2[%add3A_172, %dma_wait3A_247] : memref<128x65536xf32, #tpu.memory_space<hbm>> -> memref<1x32768xf32, #tpu.memory_space<hbm>>
    %dma_wait3A_249 = arith.constant 0 : i32
    %dma_wait3A_250 = arith.constant 0 : i32
    %dma_wait3A_251 = tpu.memref_slice %arg4[%dma_wait3A_242, %dma_wait3A_249, %dma_wait3A_250] : memref<3x1x32768xf32, #tpu.memory_space<vmem>> -> memref<1x1x32768xf32, #tpu.memory_space<vmem>>
    %dma_wait3A_252 = tpu.memref_squeeze %dma_wait3A_251 : memref<1x1x32768xf32, #tpu.memory_space<vmem>> -> memref<1x32768xf32, #tpu.memory_space<vmem>>
    %dma_wait3A_253 = arith.constant 0 : i32
    %dma_wait3A_254 = tpu.memref_slice %arg2[%add3A_172, %dma_wait3A_253] : memref<128x65536xf32, #tpu.memory_space<hbm>> -> memref<1x32768xf32, #tpu.memory_space<hbm>>
    tpu.wait_dma2 semaphore(%arg6 : memref<!tpu.dma_semaphore, #tpu.memory_space<semaphore_mem>>) src(%dma_wait3A_254 : memref<1x32768xf32, #tpu.memory_space<hbm>>) dst(%dma_wait3A_252 : memref<1x32768xf32, #tpu.memory_space<vmem>>)
    %add3A_255 = arith.constant 2 : i32
    %add3A_256 = arith.addi %mul3A_2, %add3A_255 : i32
    %dma_start3A_257 = arith.constant 1 : i32
    %dma_start3A_258 = arith.constant 0 : i32
    %dma_start3A_259 = arith.constant 0 : i32
    %dma_start3A_260 = tpu.memref_slice %arg4[%dma_start3A_257, %dma_start3A_258, %dma_start3A_259] : memref<3x1x32768xf32, #tpu.memory_space<vmem>> -> memref<1x1x32768xf32, #tpu.memory_space<vmem>>
    %dma_start3A_261 = tpu.memref_squeeze %dma_start3A_260 : memref<1x1x32768xf32, #tpu.memory_space<vmem>> -> memref<1x32768xf32, #tpu.memory_space<vmem>>
    %dma_start3A_262 = arith.constant 0 : i32
    %dma_start3A_263 = tpu.memref_slice %arg3[%add3A_256, %dma_start3A_262] : memref<128x65536xf32, #tpu.memory_space<hbm>> -> memref<1x32768xf32, #tpu.memory_space<hbm>>
    %dma_start3A_264 = arith.constant 0 : i32
    %dma_start3A_265 = tpu.memref_slice %arg3[%add3A_256, %dma_start3A_264] : memref<128x65536xf32, #tpu.memory_space<hbm>> -> memref<1x32768xf32, #tpu.memory_space<hbm>>
    %dma_start3A_266 = arith.constant 0 : i32
    %dma_start3A_267 = arith.constant 0 : i32
    %dma_start3A_268 = tpu.memref_slice %arg4[%dma_start3A_257, %dma_start3A_266, %dma_start3A_267] : memref<3x1x32768xf32, #tpu.memory_space<vmem>> -> memref<1x1x32768xf32, #tpu.memory_space<vmem>>
    %dma_start3A_269 = tpu.memref_squeeze %dma_start3A_268 : memref<1x1x32768xf32, #tpu.memory_space<vmem>> -> memref<1x32768xf32, #tpu.memory_space<vmem>>
    tpu.enqueue_dma source(%dma_start3A_269 : memref<1x32768xf32, #tpu.memory_space<vmem>>) target(%dma_start3A_265 : memref<1x32768xf32, #tpu.memory_space<hbm>>) target_semaphore(%arg9 : memref<!tpu.dma_semaphore, #tpu.memory_space<semaphore_mem>>)
    %dma_wait3A_270 = arith.constant 0 : i32
    %dma_wait3A_271 = arith.constant 0 : i32
    %dma_wait3A_272 = arith.constant 0 : i32
    %dma_wait3A_273 = tpu.memref_slice %arg4[%dma_wait3A_270, %dma_wait3A_271, %dma_wait3A_272] : memref<3x1x32768xf32, #tpu.memory_space<vmem>> -> memref<1x1x32768xf32, #tpu.memory_space<vmem>>
    %dma_wait3A_274 = tpu.memref_squeeze %dma_wait3A_273 : memref<1x1x32768xf32, #tpu.memory_space<vmem>> -> memref<1x32768xf32, #tpu.memory_space<vmem>>
    %dma_wait3A_275 = arith.constant 32768 : i32
    %dma_wait3A_276 = tpu.memref_slice %arg3[%add3A_200, %dma_wait3A_275] : memref<128x65536xf32, #tpu.memory_space<hbm>> -> memref<1x32768xf32, #tpu.memory_space<hbm>>
    %dma_wait3A_277 = arith.constant 32768 : i32
    %dma_wait3A_278 = tpu.memref_slice %arg3[%add3A_200, %dma_wait3A_277] : memref<128x65536xf32, #tpu.memory_space<hbm>> -> memref<1x32768xf32, #tpu.memory_space<hbm>>
    %dma_wait3A_279 = arith.constant 0 : i32
    %dma_wait3A_280 = arith.constant 0 : i32
    %dma_wait3A_281 = tpu.memref_slice %arg4[%dma_wait3A_270, %dma_wait3A_279, %dma_wait3A_280] : memref<3x1x32768xf32, #tpu.memory_space<vmem>> -> memref<1x1x32768xf32, #tpu.memory_space<vmem>>
    %dma_wait3A_282 = tpu.memref_squeeze %dma_wait3A_281 : memref<1x1x32768xf32, #tpu.memory_space<vmem>> -> memref<1x32768xf32, #tpu.memory_space<vmem>>
    tpu.wait_dma2 semaphore(%arg8 : memref<!tpu.dma_semaphore, #tpu.memory_space<semaphore_mem>>) src(%dma_wait3A_282 : memref<1x32768xf32, #tpu.memory_space<vmem>>) dst(%dma_wait3A_278 : memref<1x32768xf32, #tpu.memory_space<hbm>>)
    %add3A_283 = arith.constant 3 : i32
    %add3A_284 = arith.addi %mul3A_2, %add3A_283 : i32
    %dma_start3A_285 = arith.constant 0 : i32
    %dma_start3A_286 = arith.constant 0 : i32
    %dma_start3A_287 = arith.constant 0 : i32
    %dma_start3A_288 = tpu.memref_slice %arg4[%dma_start3A_285, %dma_start3A_286, %dma_start3A_287] : memref<3x1x32768xf32, #tpu.memory_space<vmem>> -> memref<1x1x32768xf32, #tpu.memory_space<vmem>>
    %dma_start3A_289 = tpu.memref_squeeze %dma_start3A_288 : memref<1x1x32768xf32, #tpu.memory_space<vmem>> -> memref<1x32768xf32, #tpu.memory_space<vmem>>
    %dma_start3A_290 = arith.constant 0 : i32
    %dma_start3A_291 = tpu.memref_slice %arg2[%add3A_284, %dma_start3A_290] : memref<128x65536xf32, #tpu.memory_space<hbm>> -> memref<1x32768xf32, #tpu.memory_space<hbm>>
    %dma_start3A_292 = arith.constant 0 : i32
    %dma_start3A_293 = arith.constant 0 : i32
    %dma_start3A_294 = tpu.memref_slice %arg4[%dma_start3A_285, %dma_start3A_292, %dma_start3A_293] : memref<3x1x32768xf32, #tpu.memory_space<vmem>> -> memref<1x1x32768xf32, #tpu.memory_space<vmem>>
    %dma_start3A_295 = tpu.memref_squeeze %dma_start3A_294 : memref<1x1x32768xf32, #tpu.memory_space<vmem>> -> memref<1x32768xf32, #tpu.memory_space<vmem>>
    %dma_start3A_296 = arith.constant 0 : i32
    %dma_start3A_297 = tpu.memref_slice %arg2[%add3A_284, %dma_start3A_296] : memref<128x65536xf32, #tpu.memory_space<hbm>> -> memref<1x32768xf32, #tpu.memory_space<hbm>>
    tpu.enqueue_dma source(%dma_start3A_297 : memref<1x32768xf32, #tpu.memory_space<hbm>>) target(%dma_start3A_295 : memref<1x32768xf32, #tpu.memory_space<vmem>>) target_semaphore(%arg5 : memref<!tpu.dma_semaphore, #tpu.memory_space<semaphore_mem>>)
    %dma_wait3A_298 = arith.constant 2 : i32
    %dma_wait3A_299 = arith.constant 0 : i32
    %dma_wait3A_300 = arith.constant 0 : i32
    %dma_wait3A_301 = tpu.memref_slice %arg4[%dma_wait3A_298, %dma_wait3A_299, %dma_wait3A_300] : memref<3x1x32768xf32, #tpu.memory_space<vmem>> -> memref<1x1x32768xf32, #tpu.memory_space<vmem>>
    %dma_wait3A_302 = tpu.memref_squeeze %dma_wait3A_301 : memref<1x1x32768xf32, #tpu.memory_space<vmem>> -> memref<1x32768xf32, #tpu.memory_space<vmem>>
    %dma_wait3A_303 = arith.constant 32768 : i32
    %dma_wait3A_304 = tpu.memref_slice %arg2[%add3A_228, %dma_wait3A_303] : memref<128x65536xf32, #tpu.memory_space<hbm>> -> memref<1x32768xf32, #tpu.memory_space<hbm>>
    %dma_wait3A_305 = arith.constant 0 : i32
    %dma_wait3A_306 = arith.constant 0 : i32
    %dma_wait3A_307 = tpu.memref_slice %arg4[%dma_wait3A_298, %dma_wait3A_305, %dma_wait3A_306] : memref<3x1x32768xf32, #tpu.memory_space<vmem>> -> memref<1x1x32768xf32, #tpu.memory_space<vmem>>
    %dma_wait3A_308 = tpu.memref_squeeze %dma_wait3A_307 : memref<1x1x32768xf32, #tpu.memory_space<vmem>> -> memref<1x32768xf32, #tpu.memory_space<vmem>>
    %dma_wait3A_309 = arith.constant 32768 : i32
    %dma_wait3A_310 = tpu.memref_slice %arg2[%add3A_228, %dma_wait3A_309] : memref<128x65536xf32, #tpu.memory_space<hbm>> -> memref<1x32768xf32, #tpu.memory_space<hbm>>
    tpu.wait_dma2 semaphore(%arg7 : memref<!tpu.dma_semaphore, #tpu.memory_space<semaphore_mem>>) src(%dma_wait3A_310 : memref<1x32768xf32, #tpu.memory_space<hbm>>) dst(%dma_wait3A_308 : memref<1x32768xf32, #tpu.memory_space<vmem>>)
    %add3A_311 = arith.constant 2 : i32
    %add3A_312 = arith.addi %mul3A_2, %add3A_311 : i32
    %dma_start3A_313 = arith.constant 2 : i32
    %dma_start3A_314 = arith.constant 0 : i32
    %dma_start3A_315 = arith.constant 0 : i32
    %dma_start3A_316 = tpu.memref_slice %arg4[%dma_start3A_313, %dma_start3A_314, %dma_start3A_315] : memref<3x1x32768xf32, #tpu.memory_space<vmem>> -> memref<1x1x32768xf32, #tpu.memory_space<vmem>>
    %dma_start3A_317 = tpu.memref_squeeze %dma_start3A_316 : memref<1x1x32768xf32, #tpu.memory_space<vmem>> -> memref<1x32768xf32, #tpu.memory_space<vmem>>
    %dma_start3A_318 = arith.constant 32768 : i32
    %dma_start3A_319 = tpu.memref_slice %arg3[%add3A_312, %dma_start3A_318] : memref<128x65536xf32, #tpu.memory_space<hbm>> -> memref<1x32768xf32, #tpu.memory_space<hbm>>
    %dma_start3A_320 = arith.constant 32768 : i32
    %dma_start3A_321 = tpu.memref_slice %arg3[%add3A_312, %dma_start3A_320] : memref<128x65536xf32, #tpu.memory_space<hbm>> -> memref<1x32768xf32, #tpu.memory_space<hbm>>
    %dma_start3A_322 = arith.constant 0 : i32
    %dma_start3A_323 = arith.constant 0 : i32
    %dma_start3A_324 = tpu.memref_slice %arg4[%dma_start3A_313, %dma_start3A_322, %dma_start3A_323] : memref<3x1x32768xf32, #tpu.memory_space<vmem>> -> memref<1x1x32768xf32, #tpu.memory_space<vmem>>
    %dma_start3A_325 = tpu.memref_squeeze %dma_start3A_324 : memref<1x1x32768xf32, #tpu.memory_space<vmem>> -> memref<1x32768xf32, #tpu.memory_space<vmem>>
    tpu.enqueue_dma source(%dma_start3A_325 : memref<1x32768xf32, #tpu.memory_space<vmem>>) target(%dma_start3A_321 : memref<1x32768xf32, #tpu.memory_space<hbm>>) target_semaphore(%arg10 : memref<!tpu.dma_semaphore, #tpu.memory_space<semaphore_mem>>)
    %dma_wait3A_326 = arith.constant 1 : i32
    %dma_wait3A_327 = arith.constant 0 : i32
    %dma_wait3A_328 = arith.constant 0 : i32
    %dma_wait3A_329 = tpu.memref_slice %arg4[%dma_wait3A_326, %dma_wait3A_327, %dma_wait3A_328] : memref<3x1x32768xf32, #tpu.memory_space<vmem>> -> memref<1x1x32768xf32, #tpu.memory_space<vmem>>
    %dma_wait3A_330 = tpu.memref_squeeze %dma_wait3A_329 : memref<1x1x32768xf32, #tpu.memory_space<vmem>> -> memref<1x32768xf32, #tpu.memory_space<vmem>>
    %dma_wait3A_331 = arith.constant 0 : i32
    %dma_wait3A_332 = tpu.memref_slice %arg3[%add3A_256, %dma_wait3A_331] : memref<128x65536xf32, #tpu.memory_space<hbm>> -> memref<1x32768xf32, #tpu.memory_space<hbm>>
    %dma_wait3A_333 = arith.constant 0 : i32
    %dma_wait3A_334 = tpu.memref_slice %arg3[%add3A_256, %dma_wait3A_333] : memref<128x65536xf32, #tpu.memory_space<hbm>> -> memref<1x32768xf32, #tpu.memory_space<hbm>>
    %dma_wait3A_335 = arith.constant 0 : i32
    %dma_wait3A_336 = arith.constant 0 : i32
    %dma_wait3A_337 = tpu.memref_slice %arg4[%dma_wait3A_326, %dma_wait3A_335, %dma_wait3A_336] : memref<3x1x32768xf32, #tpu.memory_space<vmem>> -> memref<1x1x32768xf32, #tpu.memory_space<vmem>>
    %dma_wait3A_338 = tpu.memref_squeeze %dma_wait3A_337 : memref<1x1x32768xf32, #tpu.memory_space<vmem>> -> memref<1x32768xf32, #tpu.memory_space<vmem>>
    tpu.wait_dma2 semaphore(%arg9 : memref<!tpu.dma_semaphore, #tpu.memory_space<semaphore_mem>>) src(%dma_wait3A_338 : memref<1x32768xf32, #tpu.memory_space<vmem>>) dst(%dma_wait3A_334 : memref<1x32768xf32, #tpu.memory_space<hbm>>)
    %add3A_339 = arith.constant 3 : i32
    %add3A_340 = arith.addi %mul3A_2, %add3A_339 : i32
    %dma_start3A_341 = arith.constant 1 : i32
    %dma_start3A_342 = arith.constant 0 : i32
    %dma_start3A_343 = arith.constant 0 : i32
    %dma_start3A_344 = tpu.memref_slice %arg4[%dma_start3A_341, %dma_start3A_342, %dma_start3A_343] : memref<3x1x32768xf32, #tpu.memory_space<vmem>> -> memref<1x1x32768xf32, #tpu.memory_space<vmem>>
    %dma_start3A_345 = tpu.memref_squeeze %dma_start3A_344 : memref<1x1x32768xf32, #tpu.memory_space<vmem>> -> memref<1x32768xf32, #tpu.memory_space<vmem>>
    %dma_start3A_346 = arith.constant 32768 : i32
    %dma_start3A_347 = tpu.memref_slice %arg2[%add3A_340, %dma_start3A_346] : memref<128x65536xf32, #tpu.memory_space<hbm>> -> memref<1x32768xf32, #tpu.memory_space<hbm>>
    %dma_start3A_348 = arith.constant 0 : i32
    %dma_start3A_349 = arith.constant 0 : i32
    %dma_start3A_350 = tpu.memref_slice %arg4[%dma_start3A_341, %dma_start3A_348, %dma_start3A_349] : memref<3x1x32768xf32, #tpu.memory_space<vmem>> -> memref<1x1x32768xf32, #tpu.memory_space<vmem>>
    %dma_start3A_351 = tpu.memref_squeeze %dma_start3A_350 : memref<1x1x32768xf32, #tpu.memory_space<vmem>> -> memref<1x32768xf32, #tpu.memory_space<vmem>>
    %dma_start3A_352 = arith.constant 32768 : i32
    %dma_start3A_353 = tpu.memref_slice %arg2[%add3A_340, %dma_start3A_352] : memref<128x65536xf32, #tpu.memory_space<hbm>> -> memref<1x32768xf32, #tpu.memory_space<hbm>>
    tpu.enqueue_dma source(%dma_start3A_353 : memref<1x32768xf32, #tpu.memory_space<hbm>>) target(%dma_start3A_351 : memref<1x32768xf32, #tpu.memory_space<vmem>>) target_semaphore(%arg6 : memref<!tpu.dma_semaphore, #tpu.memory_space<semaphore_mem>>)
    %dma_wait3A_354 = arith.constant 0 : i32
    %dma_wait3A_355 = arith.constant 0 : i32
    %dma_wait3A_356 = arith.constant 0 : i32
    %dma_wait3A_357 = tpu.memref_slice %arg4[%dma_wait3A_354, %dma_wait3A_355, %dma_wait3A_356] : memref<3x1x32768xf32, #tpu.memory_space<vmem>> -> memref<1x1x32768xf32, #tpu.memory_space<vmem>>
    %dma_wait3A_358 = tpu.memref_squeeze %dma_wait3A_357 : memref<1x1x32768xf32, #tpu.memory_space<vmem>> -> memref<1x32768xf32, #tpu.memory_space<vmem>>
    %dma_wait3A_359 = arith.constant 0 : i32
    %dma_wait3A_360 = tpu.memref_slice %arg2[%add3A_284, %dma_wait3A_359] : memref<128x65536xf32, #tpu.memory_space<hbm>> -> memref<1x32768xf32, #tpu.memory_space<hbm>>
    %dma_wait3A_361 = arith.constant 0 : i32
    %dma_wait3A_362 = arith.constant 0 : i32
    %dma_wait3A_363 = tpu.memref_slice %arg4[%dma_wait3A_354, %dma_wait3A_361, %dma_wait3A_362] : memref<3x1x32768xf32, #tpu.memory_space<vmem>> -> memref<1x1x32768xf32, #tpu.memory_space<vmem>>
    %dma_wait3A_364 = tpu.memref_squeeze %dma_wait3A_363 : memref<1x1x32768xf32, #tpu.memory_space<vmem>> -> memref<1x32768xf32, #tpu.memory_space<vmem>>
    %dma_wait3A_365 = arith.constant 0 : i32
    %dma_wait3A_366 = tpu.memref_slice %arg2[%add3A_284, %dma_wait3A_365] : memref<128x65536xf32, #tpu.memory_space<hbm>> -> memref<1x32768xf32, #tpu.memory_space<hbm>>
    tpu.wait_dma2 semaphore(%arg5 : memref<!tpu.dma_semaphore, #tpu.memory_space<semaphore_mem>>) src(%dma_wait3A_366 : memref<1x32768xf32, #tpu.memory_space<hbm>>) dst(%dma_wait3A_364 : memref<1x32768xf32, #tpu.memory_space<vmem>>)
    %add3A_367 = arith.constant 3 : i32
    %add3A_368 = arith.addi %mul3A_2, %add3A_367 : i32
    %dma_start3A_369 = arith.constant 0 : i32
    %dma_start3A_370 = arith.constant 0 : i32
    %dma_start3A_371 = arith.constant 0 : i32
    %dma_start3A_372 = tpu.memref_slice %arg4[%dma_start3A_369, %dma_start3A_370, %dma_start3A_371] : memref<3x1x32768xf32, #tpu.memory_space<vmem>> -> memref<1x1x32768xf32, #tpu.memory_space<vmem>>
    %dma_start3A_373 = tpu.memref_squeeze %dma_start3A_372 : memref<1x1x32768xf32, #tpu.memory_space<vmem>> -> memref<1x32768xf32, #tpu.memory_space<vmem>>
    %dma_start3A_374 = arith.constant 0 : i32
    %dma_start3A_375 = tpu.memref_slice %arg3[%add3A_368, %dma_start3A_374] : memref<128x65536xf32, #tpu.memory_space<hbm>> -> memref<1x32768xf32, #tpu.memory_space<hbm>>
    %dma_start3A_376 = arith.constant 0 : i32
    %dma_start3A_377 = tpu.memref_slice %arg3[%add3A_368, %dma_start3A_376] : memref<128x65536xf32, #tpu.memory_space<hbm>> -> memref<1x32768xf32, #tpu.memory_space<hbm>>
    %dma_start3A_378 = arith.constant 0 : i32
    %dma_start3A_379 = arith.constant 0 : i32
    %dma_start3A_380 = tpu.memref_slice %arg4[%dma_start3A_369, %dma_start3A_378, %dma_start3A_379] : memref<3x1x32768xf32, #tpu.memory_space<vmem>> -> memref<1x1x32768xf32, #tpu.memory_space<vmem>>
    %dma_start3A_381 = tpu.memref_squeeze %dma_start3A_380 : memref<1x1x32768xf32, #tpu.memory_space<vmem>> -> memref<1x32768xf32, #tpu.memory_space<vmem>>
    tpu.enqueue_dma source(%dma_start3A_381 : memref<1x32768xf32, #tpu.memory_space<vmem>>) target(%dma_start3A_377 : memref<1x32768xf32, #tpu.memory_space<hbm>>) target_semaphore(%arg8 : memref<!tpu.dma_semaphore, #tpu.memory_space<semaphore_mem>>)
    %dma_wait3A_382 = arith.constant 1 : i32
    %dma_wait3A_383 = arith.constant 0 : i32
    %dma_wait3A_384 = arith.constant 0 : i32
    %dma_wait3A_385 = tpu.memref_slice %arg4[%dma_wait3A_382, %dma_wait3A_383, %dma_wait3A_384] : memref<3x1x32768xf32, #tpu.memory_space<vmem>> -> memref<1x1x32768xf32, #tpu.memory_space<vmem>>
    %dma_wait3A_386 = tpu.memref_squeeze %dma_wait3A_385 : memref<1x1x32768xf32, #tpu.memory_space<vmem>> -> memref<1x32768xf32, #tpu.memory_space<vmem>>
    %dma_wait3A_387 = arith.constant 32768 : i32
    %dma_wait3A_388 = tpu.memref_slice %arg2[%add3A_340, %dma_wait3A_387] : memref<128x65536xf32, #tpu.memory_space<hbm>> -> memref<1x32768xf32, #tpu.memory_space<hbm>>
    %dma_wait3A_389 = arith.constant 0 : i32
    %dma_wait3A_390 = arith.constant 0 : i32
    %dma_wait3A_391 = tpu.memref_slice %arg4[%dma_wait3A_382, %dma_wait3A_389, %dma_wait3A_390] : memref<3x1x32768xf32, #tpu.memory_space<vmem>> -> memref<1x1x32768xf32, #tpu.memory_space<vmem>>
    %dma_wait3A_392 = tpu.memref_squeeze %dma_wait3A_391 : memref<1x1x32768xf32, #tpu.memory_space<vmem>> -> memref<1x32768xf32, #tpu.memory_space<vmem>>
    %dma_wait3A_393 = arith.constant 32768 : i32
    %dma_wait3A_394 = tpu.memref_slice %arg2[%add3A_340, %dma_wait3A_393] : memref<128x65536xf32, #tpu.memory_space<hbm>> -> memref<1x32768xf32, #tpu.memory_space<hbm>>
    tpu.wait_dma2 semaphore(%arg6 : memref<!tpu.dma_semaphore, #tpu.memory_space<semaphore_mem>>) src(%dma_wait3A_394 : memref<1x32768xf32, #tpu.memory_space<hbm>>) dst(%dma_wait3A_392 : memref<1x32768xf32, #tpu.memory_space<vmem>>)
    %add3A_395 = arith.constant 3 : i32
    %add3A_396 = arith.addi %mul3A_2, %add3A_395 : i32
    %dma_start3A_397 = arith.constant 1 : i32
    %dma_start3A_398 = arith.constant 0 : i32
    %dma_start3A_399 = arith.constant 0 : i32
    %dma_start3A_400 = tpu.memref_slice %arg4[%dma_start3A_397, %dma_start3A_398, %dma_start3A_399] : memref<3x1x32768xf32, #tpu.memory_space<vmem>> -> memref<1x1x32768xf32, #tpu.memory_space<vmem>>
    %dma_start3A_401 = tpu.memref_squeeze %dma_start3A_400 : memref<1x1x32768xf32, #tpu.memory_space<vmem>> -> memref<1x32768xf32, #tpu.memory_space<vmem>>
    %dma_start3A_402 = arith.constant 32768 : i32
    %dma_start3A_403 = tpu.memref_slice %arg3[%add3A_396, %dma_start3A_402] : memref<128x65536xf32, #tpu.memory_space<hbm>> -> memref<1x32768xf32, #tpu.memory_space<hbm>>
    %dma_start3A_404 = arith.constant 32768 : i32
    %dma_start3A_405 = tpu.memref_slice %arg3[%add3A_396, %dma_start3A_404] : memref<128x65536xf32, #tpu.memory_space<hbm>> -> memref<1x32768xf32, #tpu.memory_space<hbm>>
    %dma_start3A_406 = arith.constant 0 : i32
    %dma_start3A_407 = arith.constant 0 : i32
    %dma_start3A_408 = tpu.memref_slice %arg4[%dma_start3A_397, %dma_start3A_406, %dma_start3A_407] : memref<3x1x32768xf32, #tpu.memory_space<vmem>> -> memref<1x1x32768xf32, #tpu.memory_space<vmem>>
    %dma_start3A_409 = tpu.memref_squeeze %dma_start3A_408 : memref<1x1x32768xf32, #tpu.memory_space<vmem>> -> memref<1x32768xf32, #tpu.memory_space<vmem>>
    tpu.enqueue_dma source(%dma_start3A_409 : memref<1x32768xf32, #tpu.memory_space<vmem>>) target(%dma_start3A_405 : memref<1x32768xf32, #tpu.memory_space<hbm>>) target_semaphore(%arg9 : memref<!tpu.dma_semaphore, #tpu.memory_space<semaphore_mem>>)
    %dma_wait3A_410 = arith.constant 0 : i32
    %dma_wait3A_411 = arith.constant 0 : i32
    %dma_wait3A_412 = arith.constant 0 : i32
    %dma_wait3A_413 = tpu.memref_slice %arg4[%dma_wait3A_410, %dma_wait3A_411, %dma_wait3A_412] : memref<3x1x32768xf32, #tpu.memory_space<vmem>> -> memref<1x1x32768xf32, #tpu.memory_space<vmem>>
    %dma_wait3A_414 = tpu.memref_squeeze %dma_wait3A_413 : memref<1x1x32768xf32, #tpu.memory_space<vmem>> -> memref<1x32768xf32, #tpu.memory_space<vmem>>
    %dma_wait3A_415 = arith.constant 0 : i32
    %dma_wait3A_416 = tpu.memref_slice %arg3[%add3A_368, %dma_wait3A_415] : memref<128x65536xf32, #tpu.memory_space<hbm>> -> memref<1x32768xf32, #tpu.memory_space<hbm>>
    %dma_wait3A_417 = arith.constant 0 : i32
    %dma_wait3A_418 = tpu.memref_slice %arg3[%add3A_368, %dma_wait3A_417] : memref<128x65536xf32, #tpu.memory_space<hbm>> -> memref<1x32768xf32, #tpu.memory_space<hbm>>
    %dma_wait3A_419 = arith.constant 0 : i32
    %dma_wait3A_420 = arith.constant 0 : i32
    %dma_wait3A_421 = tpu.memref_slice %arg4[%dma_wait3A_410, %dma_wait3A_419, %dma_wait3A_420] : memref<3x1x32768xf32, #tpu.memory_space<vmem>> -> memref<1x1x32768xf32, #tpu.memory_space<vmem>>
    %dma_wait3A_422 = tpu.memref_squeeze %dma_wait3A_421 : memref<1x1x32768xf32, #tpu.memory_space<vmem>> -> memref<1x32768xf32, #tpu.memory_space<vmem>>
    tpu.wait_dma2 semaphore(%arg8 : memref<!tpu.dma_semaphore, #tpu.memory_space<semaphore_mem>>) src(%dma_wait3A_422 : memref<1x32768xf32, #tpu.memory_space<vmem>>) dst(%dma_wait3A_418 : memref<1x32768xf32, #tpu.memory_space<hbm>>)
    %dma_wait3A_423 = arith.constant 1 : i32
    %dma_wait3A_424 = arith.constant 0 : i32
    %dma_wait3A_425 = arith.constant 0 : i32
    %dma_wait3A_426 = tpu.memref_slice %arg4[%dma_wait3A_423, %dma_wait3A_424, %dma_wait3A_425] : memref<3x1x32768xf32, #tpu.memory_space<vmem>> -> memref<1x1x32768xf32, #tpu.memory_space<vmem>>
    %dma_wait3A_427 = tpu.memref_squeeze %dma_wait3A_426 : memref<1x1x32768xf32, #tpu.memory_space<vmem>> -> memref<1x32768xf32, #tpu.memory_space<vmem>>
    %dma_wait3A_428 = arith.constant 32768 : i32
    %dma_wait3A_429 = tpu.memref_slice %arg3[%add3A_396, %dma_wait3A_428] : memref<128x65536xf32, #tpu.memory_space<hbm>> -> memref<1x32768xf32, #tpu.memory_space<hbm>>
    %dma_wait3A_430 = arith.constant 32768 : i32
    %dma_wait3A_431 = tpu.memref_slice %arg3[%add3A_396, %dma_wait3A_430] : memref<128x65536xf32, #tpu.memory_space<hbm>> -> memref<1x32768xf32, #tpu.memory_space<hbm>>
    %dma_wait3A_432 = arith.constant 0 : i32
    %dma_wait3A_433 = arith.constant 0 : i32
    %dma_wait3A_434 = tpu.memref_slice %arg4[%dma_wait3A_423, %dma_wait3A_432, %dma_wait3A_433] : memref<3x1x32768xf32, #tpu.memory_space<vmem>> -> memref<1x1x32768xf32, #tpu.memory_space<vmem>>
    %dma_wait3A_435 = tpu.memref_squeeze %dma_wait3A_434 : memref<1x1x32768xf32, #tpu.memory_space<vmem>> -> memref<1x32768xf32, #tpu.memory_space<vmem>>
    tpu.wait_dma2 semaphore(%arg9 : memref<!tpu.dma_semaphore, #tpu.memory_space<semaphore_mem>>) src(%dma_wait3A_435 : memref<1x32768xf32, #tpu.memory_space<vmem>>) dst(%dma_wait3A_431 : memref<1x32768xf32, #tpu.memory_space<hbm>>)
    %dma_wait3A_436 = arith.constant 2 : i32
    %dma_wait3A_437 = arith.constant 0 : i32
    %dma_wait3A_438 = arith.constant 0 : i32
    %dma_wait3A_439 = tpu.memref_slice %arg4[%dma_wait3A_436, %dma_wait3A_437, %dma_wait3A_438] : memref<3x1x32768xf32, #tpu.memory_space<vmem>> -> memref<1x1x32768xf32, #tpu.memory_space<vmem>>
    %dma_wait3A_440 = tpu.memref_squeeze %dma_wait3A_439 : memref<1x1x32768xf32, #tpu.memory_space<vmem>> -> memref<1x32768xf32, #tpu.memory_space<vmem>>
    %dma_wait3A_441 = arith.constant 32768 : i32
    %dma_wait3A_442 = tpu.memref_slice %arg3[%add3A_312, %dma_wait3A_441] : memref<128x65536xf32, #tpu.memory_space<hbm>> -> memref<1x32768xf32, #tpu.memory_space<hbm>>
    %dma_wait3A_443 = arith.constant 32768 : i32
    %dma_wait3A_444 = tpu.memref_slice %arg3[%add3A_312, %dma_wait3A_443] : memref<128x65536xf32, #tpu.memory_space<hbm>> -> memref<1x32768xf32, #tpu.memory_space<hbm>>
    %dma_wait3A_445 = arith.constant 0 : i32
    %dma_wait3A_446 = arith.constant 0 : i32
    %dma_wait3A_447 = tpu.memref_slice %arg4[%dma_wait3A_436, %dma_wait3A_445, %dma_wait3A_446] : memref<3x1x32768xf32, #tpu.memory_space<vmem>> -> memref<1x1x32768xf32, #tpu.memory_space<vmem>>
    %dma_wait3A_448 = tpu.memref_squeeze %dma_wait3A_447 : memref<1x1x32768xf32, #tpu.memory_space<vmem>> -> memref<1x32768xf32, #tpu.memory_space<vmem>>
    tpu.wait_dma2 semaphore(%arg10 : memref<!tpu.dma_semaphore, #tpu.memory_space<semaphore_mem>>) src(%dma_wait3A_448 : memref<1x32768xf32, #tpu.memory_space<vmem>>) dst(%dma_wait3A_444 : memref<1x32768xf32, #tpu.memory_space<hbm>>)
    return
  }
}

module attributes {stable_mosaic.version = 14 : i64} {
  func.func @_slab_body(%arg0: i32, %arg1: memref<1xi32, #tpu.memory_space<smem>>, %arg2: memref<4096x128xf32, #tpu.memory_space<vmem>>, %arg3: memref<128x65536xf32, #tpu.memory_space<hbm>>, %arg4: memref<128x4096xf32, #tpu.memory_space<vmem>>) attributes {dimension_semantics = [#tpu.dimension_semantics<arbitrary>], iteration_bounds = array<i64: 1>, scalar_prefetch = 1 : i64, scratch_operands = 0 : i64, tpu.core_type = #tpu.core_type<tc>, window_params = [{pipeline_mode = #tpu.pipeline_mode<synchronous>, transform_indices = @transform_0, window_bounds = array<i64: 4096, 128>}, {}, {transform_indices = @transform_2, window_bounds = array<i64: 128, 4096>}]} {
    %get3A = arith.constant 0 : index
    %get3A_0 = arith.constant 0 : index
    %get3A_1 = vector.load %arg2[%get3A, %get3A_0] : memref<4096x128xf32, #tpu.memory_space<vmem>>, vector<4096x128xf32>
    %transpose3A = tpu.transpose %get3A_1, [1, 0] : vector<4096x128xf32> -> vector<128x4096xf32>
    %swap3A = arith.constant 0 : index
    %swap3A_2 = arith.constant 0 : index
    %swap3A_3 = vector.load %arg4[%swap3A, %swap3A_2] : memref<128x4096xf32, #tpu.memory_space<vmem>>, vector<128x4096xf32>
    tpu.vector_store %arg4[%swap3A, %swap3A_2], %transpose3A {strides = array<i32>} : memref<128x4096xf32, #tpu.memory_space<vmem>>, vector<128x4096xf32>,
    return
  }
  func.func @transform_0(%arg0: i32, %arg1: memref<1xi32, #tpu.memory_space<smem>>) -> (i32, i32) {
    %c0_i32 = arith.constant 0 : i32
    %c0_i32_0 = arith.constant 0 : i32
    %c0_i32_1 = arith.constant 0 : i32
    return %c0_i32, %c0_i32_0 : i32, i32
  }
  func.func @transform_2(%arg0: i32, %arg1: memref<1xi32, #tpu.memory_space<smem>>) -> (i32, i32) {
    %get3A = arith.constant 0 : index
    %get3A_0 = memref.load %arg1[%get3A] : memref<1xi32, #tpu.memory_space<smem>>
    %jit3A = arith.constant 4096 : i32
    %div3A = arith.divsi %get3A_0, %jit3A : i32
    %sign3A = arith.constant 0 : i32
    %sign3A_1 = arith.cmpi sgt, %get3A_0, %sign3A : i32
    %sign3A_2 = arith.extui %sign3A_1 : i1 to i32
    %sign3A_3 = arith.constant 0 : i32
    %sign3A_4 = arith.cmpi slt, %get3A_0, %sign3A_3 : i32
    %sign3A_5 = arith.extui %sign3A_4 : i1 to i32
    %sign3A_6 = arith.subi %sign3A_2, %sign3A_5 : i32
    %sign3A_7 = arith.constant 0 : i32
    %sign3A_8 = arith.cmpi sgt, %jit3A, %sign3A_7 : i32
    %sign3A_9 = arith.extui %sign3A_8 : i1 to i32
    %sign3A_10 = arith.constant 0 : i32
    %sign3A_11 = arith.cmpi slt, %jit3A, %sign3A_10 : i32
    %sign3A_12 = arith.extui %sign3A_11 : i1 to i32
    %sign3A_13 = arith.subi %sign3A_9, %sign3A_12 : i32
    %ne3A = arith.cmpi ne, %sign3A_6, %sign3A_13 : i32
    %rem3A = arith.remsi %get3A_0, %jit3A : i32
    %ne3A_14 = arith.constant 0 : i32
    %ne3A_15 = arith.cmpi ne, %rem3A, %ne3A_14 : i32
    %and3A = arith.andi %ne3A, %ne3A_15 : i1
    %sub3A = arith.constant 1 : i32
    %sub3A_16 = arith.subi %div3A, %sub3A : i32
    %select_n3A = arith.select %and3A, %sub3A_16, %div3A : i32
    %c0_i32 = arith.constant 0 : i32
    %c0_i32_17 = arith.constant 0 : i32
    return %c0_i32, %select_n3A : i32, i32
  }
}

</mosaic_0001>

<sc_bundles>
// kernel: kernel.4.cloned.1.call-start
scs
__scs_entry_jumppad:
0x0: {  	(pc) =	sbr.rel $0x88, $3  }
0x1: {  	(tag) =	ssettag $0x0;
	lr =	simm.s32 $0x1  }
0x2: {  	[smem:$0x3F9E] =	sst lr;
	_ =	strace $0xD0000000  }
0x3: {  	_ = 	snop  }
0x4: {  	_ = 	snop  }
0x5: {  	_ = 	snop  }
0x6: {  	_ = 	snop  }
0x7: {  	_ = 	snop  }
__scs_overlays_trampoline_lowered:
0x8: {  	[smem:$0x3FAD] =	sst s0  }
0x9: {  	[smem:$0x3FAE] =	sst s1  }
0xa: {  	[smem:$0x3FAF] =	sst s2  }
0xb: {  	[smem:$0x3FB0] =	sst s3  }
0xc: {  	[smem:$0x3FB1] =	sst s4  }
0xd: {  	[smem:$0x3FB2] =	sst s5  }
0xe: {  	[smem:$0x3FB3] =	sst s6  }
0xf: {  	[smem:$0x3FB4] =	sst s7  }
0x10: {  	[smem:$0x3FB5] =	sst s8  }
0x11: {  	[smem:$0x3FB6] =	sst s9;
	s0 =	simm.s32 @!p0 $0x0  }
0x12: {  	s1 =	sld [smem:$0x3F9C];
	s0 =	simm.s32 @p0 $0x1  }
0x13: {  	[smem:$0x3FB7] =	sst s0;
	s0 =	simm.s32 @!p1 $0x0  }
0x14: {  	s2 =	sld [smem:$0x3F9B];
	s0 =	simm.s32 @p1 $0x1  }
0x15: {  	[smem:$0x3FB8] =	sst s0;
	s0 =	simm.s32 @!p2 $0x0  }
0x16: {  	s3 =	sld [smem:$0x3FDB];
	s0 =	simm.s32 @p2 $0x1  }
0x17: {  	s4 =	simm.s32 $0x1BF5;
	[smem:$0x3FBA] =	sst s0  }
0x18: {  	s0 =	sld [smem:$0x3F9D];
	_ =	swait.ge [sflag:s4], $0x0  }
0x19: {  	s7 =	sld [smem:$0x3F9E]  }
0x1a: {  	s8 =	sadd.s32 $0xFFFFE003, lr  }
0x1b: {  	s9 =	sadd.s32 $0xFFFFFEF7, lr;
	s5 =	simm.s32 $0xFFFFFFFF;
	p2 =	slt.u32 s8, $0xFFFFF086  }
0x1c: {  	p1 =	slt.u32 s9, $0xF7A;
	s5 =	simm.s32 @!p2 $0x0  }
0x1d: {  	s5 =	simm.s32 @p1 $0x1;
	p0 =	seq.s32 s7, s2  }
0x1e: {  	s7 =	smul.u32 @!p0 $0xF7A, s2;
	p2 =	seq.s32 @!p0 s5, $0x0  }
0x1f: {  	s9 =	smul.u32 $0xF7A, s1;
	s8 =	simm.s32 @!p0 $0x1BF5;
	p2 =	por !p2, p0  }
0x20: {  	[sflag:s8] =	ssyncset.s32 @!p0 $0xFFFFF086;
	s6 =	sadd.s32 @!p0 s3, s7;
	s7 =	simm.s32 @!p0 $0x108  }
0x21: {  	s3 =	sadd.s32 s3, s9;
	s6 =	sadd.s32 @!p0 $0x88, s6;
	s7 =	simm.s32 @p2 $0x1082  }
0x22: {  	[simem:s7], [sflag:s8] =	dma.local @!p0 [hbm:s6], $0xF7A  }
0x23: {  	s9 =	sor.u32 $0xD0000000, s2;
	s6 =	simm.s32 $0x108;
	_ =	swait.ge @!p0 [sflag:s8], $0x0  }
0x24: {  	s3 =	sadd.s32 $0x88, s3;
	s6 =	simm.s32 @!p1 $0x1082;
	[sflag:s4] =	ssyncset.s32 $0xFFFFF086  }
0x25: {  	[simem:s6], [sflag:s4] =	dma.local [hbm:s3], $0xF7A  }
0x26: {  	[smem:$0x3F9E] =	sst s1;
	(tag) =	ssettag s2;
	_ =	strace s9  }
0x27: {  	s1 =	sld [smem:$0x3FAE]  }
0x28: {  	s2 =	sld [smem:$0x3FAF]  }
0x29: {  	s4 =	sld [smem:$0x3FB1]  }
0x2a: {  	p0 =	seq.s32 s5, $0x0;
	s5 =	sld [smem:$0x3FB2]  }
0x2b: {  	s6 =	sld [smem:$0x3FB3]  }
0x2c: {  	s7 =	sld [smem:$0x3FB4]  }
0x2d: {  	s3 =	simm.s32 $0x108;
	s8 =	sld [smem:$0x3FB5]  }
0x2e: {  	s3 =	simm.s32 @!p0 $0x1082;
	s9 =	sld [smem:$0x3FB6]  }
0x2f: {  	lr =	sadd.s32 s0, s3;
	s0 =	sld [smem:$0x3FAD]  }
0x30: {  	s3 =	sld [smem:$0x3FB0]  }
0x31: {  	[smem:$0x3FB9] =	sst s10  }
0x32: {  	s10 =	sld [smem:$0x3FB7];
	_ =	sdelay $0x3  }
0x33: {  	p0 =	seq.s32 s10, $0x1;
	s10 =	sld [smem:$0x3FB9];
	_ =	sdelay $0x3  }
0x34: {  	[smem:$0x3FB9] =	sst s10  }
0x35: {  	s10 =	sld [smem:$0x3FB8];
	_ =	sdelay $0x3  }
0x36: {  	p1 =	seq.s32 s10, $0x1;
	s10 =	sld [smem:$0x3FB9];
	_ =	sdelay $0x3  }
0x37: {  	[smem:$0x3FB9] =	sst s10  }
0x38: {  	s10 =	sld [smem:$0x3FBA]  }
0x39: {  	_ = 	snop;
	(pc) =	sbr.ind lr, $3  }
0x3a: {  	_ = 	snop  }
0x3b: {  	_ = 	snop  }
0x3c: {  	p2 =	seq.s32 s10, $0x1;
	s10 =	sld [smem:$0x3FB9]  }
0x3d: {  	_ =	shalt  }
0x3e: {  	_ =	shalt  }
0x3f: {  	_ =	shalt  }
0x40: {  	_ =	shalt  }
0x41: {  	_ =	shalt  }
0x42: {  	_ =	shalt  }
0x43: {  	_ =	shalt  }
0x44: {  	_ =	shalt  }
0x45: {  	_ =	shalt  }
0x46: {  	_ =	shalt  }
0x47: {  	_ =	shalt  }
0x48: {  	_ =	shalt  }
0x49: {  	_ =	shalt  }
0x4a: {  	_ =	shalt  }
0x4b: {  	_ =	shalt  }
0x4c: {  	_ =	shalt  }
0x4d: {  	_ =	shalt  }
0x4e: {  	_ =	shalt  }
0x4f: {  	_ =	shalt  }
0x50: {  	_ =	shalt  }
0x51: {  	_ =	shalt  }
0x52: {  	_ =	shalt  }
0x53: {  	_ =	shalt  }
0x54: {  	_ =	shalt  }
0x55: {  	_ =	shalt  }
0x56: {  	_ =	shalt  }
0x57: {  	_ =	shalt  }
0x58: {  	_ =	shalt  }
0x59: {  	_ =	shalt  }
0x5a: {  	_ =	shalt  }
0x5b: {  	_ =	shalt  }
0x5c: {  	_ =	shalt  }
0x5d: {  	_ =	shalt  }
0x5e: {  	_ =	shalt  }
0x5f: {  	_ =	shalt  }
0x60: {  	_ =	shalt  }
0x61: {  	_ =	shalt  }
0x62: {  	_ =	shalt  }
0x63: {  	_ =	shalt  }
0x64: {  	_ =	shalt  }
0x65: {  	_ =	shalt  }
0x66: {  	_ =	shalt  }
0x67: {  	_ =	shalt  }
0x68: {  	_ =	shalt  }
0x69: {  	_ =	shalt  }
0x6a: {  	_ =	shalt  }
0x6b: {  	_ =	shalt  }
0x6c: {  	_ =	shalt  }
0x6d: {  	_ =	shalt  }
0x6e: {  	_ =	shalt  }
0x6f: {  	_ =	shalt  }
0x70: {  	_ =	shalt  }
0x71: {  	_ =	shalt  }
0x72: {  	_ =	shalt  }
0x73: {  	_ =	shalt  }
0x74: {  	_ =	shalt  }
0x75: {  	_ =	shalt  }
0x76: {  	_ =	shalt  }
0x77: {  	_ =	shalt  }
0x78: {  	_ =	shalt  }
0x79: {  	_ =	shalt  }
0x7a: {  	_ =	shalt  }
0x7b: {  	_ =	shalt  }
0x7c: {  	_ =	shalt  }
0x7d: {  	_ =	shalt  }
0x7e: {  	_ =	shalt  }
0x7f: {  	_ =	shalt  }
0x80: {  	_ =	shalt  }
0x81: {  	_ =	shalt  }
0x82: {  	_ =	shalt  }
0x83: {  	_ =	shalt  }
0x84: {  	_ =	shalt  }
0x85: {  	_ =	shalt  }
0x86: {  	_ =	shalt  }
0x87: {  	_ =	shalt  }
.Lfunc_end0:
.L_simem_size_0:
called_computation_lowered:
.L_overlay_start_0:
0x88: {  	s2 =	sld [smem:$0x3FD9]  }
0x89: {  	s3 =	sld [smem:$0x3FFE];
	_ =	sdelay $0x1  }
0x8a: {  	s1 =	srdreg.scid  }
0x8b: {  	s0 =	sand.u32 $0x1, s1  }
0x8c: {  	s15 =	sshll.u32 s0, $0xA;
	s2 =	sadd.s32 s3, s2  }
0x8d: {  	s2 =	sadd.s32 s2, s15  }
0x8e: {  	[smem:$0x3FC5] =	sst s2  }
0x8f: {  	_ = 	snop  }
0x90: {  	s2 =	sld [smem:$0x3FD0];
	_ =	sdelay $0x2  }
0x91: {  	s4 =	simm.s32 $0xA;
	s5 =	simm.s32 $0x10;
	s16 =	sld [smem:$0x3FC8]  }
0x92: {  	[smem:s5], [sflag:s4] =	dma.local [hbm:s2], $0x1  }
0x93: {  	_ =	swait.eq [sflag:s4], $0x1  }
0x94: {  	[sflag:s4] =	ssyncset.done $0x0  }
0x95: {  	[sflag:s4] =	ssyncadd.s32 $0xFFFFFFFF  }
0x96: {  	s17 =	sld [smem:$0x11];
	(tm) =	ssettm $0x1  }
0x97: {  	s18 =	sld [smem:$0x3FFB];
	_ =	sdelay $0x3  }
0x98: {  	_ =	strace s18  }
0x99: {  	s4 =	sld [smem:$0x3FFC];
	_ =	sdelay $0x3  }
0x9a: {  	_ =	strace s4  }
0x9b: {  	s4 =	sld [smem:$0x3FFD];
	_ =	sdelay $0x3  }
0x9c: {  	_ =	strace s4  }
0x9d: {  	_ =	strace $0x8FFFFFFF  }
0x9e: {  	s19 =	sld [smem:$0x3FDB];
	_ =	sdelay $0x1  }
0x9f: {  	s20 =	simm.s32 $_scs_section_size  }
0xa0: {  	s6 =	simm.s32 $_size__tile_overlayer_lowered;
	s7 =	simm.s32 $_tile_overlayer_lowered  }
0xa1: {  	s23 =	simm.s32 $0x1BFF;
	s22 =	sshll.u32 s7, $0x1;
	s4 =	sadd.s32 s20, s19  }
0xa2: {  	s8 =	simm.s32 $0x0;
	s21 =	sshll.u32 s6, $0x1;
	s6 =	sadd.s32 s22, s4  }
0xa3: {  	[timem:s8], [sflag:s23] =	dma.local [hbm:s6], s21  }
0xa4: {  	_ =	swait.ge [sflag:s23], s21  }
0xa5: {  	s5 =	ssub.s32 $0x0, s21;
	[sflag:s23] =	ssyncset.done $0x0  }
0xa6: {  	[sflag:s23] =	ssyncadd.s32 s5;
	_ =	sdelay $0x1  }
0xa7: {  	s24 =	simm.s32 $0x1B8B  }
0xa8: {  	_ =	swait.ge [sflag:s24], $0x1  }
0xa9: {  	[sflag:s24] =	ssyncset.done $0x0  }
0xaa: {  	s25 =	simm.s32 $0x1B8E;
	[sflag:s24] =	ssyncadd.s32 $0xFFFFFFFF  }
0xab: {  	s26 =	simm.s32 $execute0_lowered;
	[smem:$0x3FD2] =	sst s25  }
0xac: {  	s5 =	sshll.u32 s26, $0x1;
	_ =	strace $0x80000046;
	[dreg:$0x1] =	wrdreg $0xFFFFFFFF  }
0xad: {  	s28 =	simm.s32 $_size_execute0_lowered;
	s4 =	sadd.s32 s4, s5;
	[dreg:$0x0] =	wrdreg $0x0  }
0xae: {  	s5 =	sshll.u32 s28, $0x1;
	[dreg:$0x2] =	wrdreg s4  }
0xaf: {  	[dreg:$0x3] =	wrdreg s5  }
0xb0: {  	[dreg:$0x4] =	wrdreg $0xC0  }
0xb1: {  	_ =	task [dreg:s8], $0x5FFFF  }
0xb2: {  	[dreg:$0x1] =	wrdreg $0xFFFFFFFF  }
0xb3: {  	[dreg:$0x0] =	wrdreg $0x60  }
0xb4: {  	[dreg:$0x2] =	wrdreg s16  }
0xb5: {  	[dreg:$0x3] =	wrdreg s17  }
0xb6: {  	[dreg:$0x4] =	wrdreg $0x9  }
0xb7: {  	_ =	task.clear_ibuf [dreg:s8], $0x5FFFF;
	_ =	strace $0x90000046  }
0xb8: {  	s29 =	simm.s32 $0x9;
	_ =	strace $0x80000048  }
0xb9: {  	_ =	swait.ge [sflag:s29], $0x1  }
0xba: {  	[sflag:s29] =	ssyncadd.s32 $0xFFFFFFFF  }
0xbb: {  	_ =	strace $0x90000048  }
0xbc: {  	_ =	sfence  }
0xbd: {  	s30 =	sld [smem:$0x0];
	_ =	sdelay $0x2  }
0xbe: {  	s31 =	sshll.u32 s1, $0xD;
	s1 =	sshrl.u32 s1, $0x2  }
0xbf: {  	s3 =	sand.u32 $0x4000, s31;
	s1 =	sadd.s32 s1, s30  }
0xc0: {  	s0 =	sor.u32 s3, s0;
	s1 =	sshll.u32 s1, $0x11  }
0xc1: {  	s0 =	sor.u32 s1, s0  }
0xc2: {  	s0 =	sadd.s32 $0x8F2B, s0  }
0xc3: {  	[sflag:s0] =	ssyncadd.remote.s32 $0x1  }
0xc4: {  	_ =	sfence.sel $0xFFFF  }
0xc5: {  	[dreg:$0x0] =	wrdreg $0xFFFFFFFF;
	(pc) =	sbr.abs _section_cstart, $3  }
0xc6: {  	[dreg:$0x1] =	wrdreg $0xFFFFFFFF  }
0xc7: {  	_ =	task.clear_ibuf [dreg:s8], $0x2FFFF;
	_ =	strace $0x9FFFFFFF  }
0xc8: {  	(tm) =	ssettm $0x7FFFFFFF  }
0xc9: {  	_ =	shalt  }
tec
execute0_lowered:
.L_overlay_start_1:
0x0: {  	(tag) =	ssettag $0x1  }
0x1: {  	s26 =	rddreg [dreg:$0x0]  }
0x2: {  	s29 =	rddreg [dreg:$0x1];
	s2 =	srdreg.scid  }
0x3: {  	s1 =	stileid.u32;
	s30 =	sand.u32 $0x1, s2;
	s2 =	simm.s32 $0x0  }
0x4: {  	s3 =	sshll.u32 s1, $0x10;
	s4 =	sshll.u32 s30, $0x6;
	[smem:$0x7FF] =	sst s2  }
0x5: {  	s5 =	simm.s32 $0x400;
	s28 =	sor.u32 s4, s3;
	_ =	strace $0x80000047  }
0x6: {  	s4 =	simm.s32 $0x80;
	s3 =	sadd.s32 s26, s28;
	s13 =	sor.u32 $0x8000, s28  }
0x7: {  	[tilespmem:s2], [sflag:$0x1] =	stream.strided.gather [hbm4b:s3+s4], $0x8000, s5, s4, $0x38;
	[tilespmem:$0x18000] =	vst v63  }
0x8: {  	s7 =	simm.s32 $0x8000;
	s8 =	simm.s32 $0x1;
	s6 =	sadd.s32 s26, s13  }
0x9: {  	[tilespmem:s7], [sflag:$0x2] =	stream.strided.gather [hbm4b:s6+s4], $0x8000, s5, s4, $0x38;
	[tilespmem:$0x18000] =	vst v63  }
0xa: {  	_ =	swait.ge [sflag:s8], $0x8000  }
0xb: {  	[sflag:s8] =	ssyncset.done $0x0  }
0xc: {  	s9 =	sadd.s32 s29, s28;
	s17 =	sor.u32 $0x10, s28;
	[sflag:s8] =	ssyncadd.s32 $0xFFFF8000  }
0xd: {  	[hbm4b:s9+s4] =	stream.strided.scatter [tilespmem:s2], [sflag:$0x4], $0x8000, s5, s4, $0x38;
	[tilespmem:$0x18000] =	vst v63  }
0xe: {  	s11 =	simm.s32 $0x10000;
	s12 =	simm.s32 $0x2;
	s10 =	sadd.s32 s26, s17  }
0xf: {  	[tilespmem:s11], [sflag:$0x3] =	stream.strided.gather [hbm4b:s10+s4], $0x8000, s5, s4, $0x38;
	[tilespmem:$0x18000] =	vst v63  }
0x10: {  	_ =	swait.ge [sflag:s12], $0x8000  }
0x11: {  	[sflag:s12] =	ssyncset.done $0x0  }
0x12: {  	s14 =	simm.s32 $0x4;
	s13 =	sadd.s32 s29, s13;
	[sflag:s12] =	ssyncadd.s32 $0xFFFF8000  }
0x13: {  	[hbm4b:s13+s4] =	stream.strided.scatter [tilespmem:s7], [sflag:$0x5], $0x8000, s5, s4, $0x38;
	[tilespmem:$0x18000] =	vst v63  }
0x14: {  	_ =	swait.ge [sflag:s14], $0x8000  }
0x15: {  	s20 =	sor.u32 $0x8010, s28;
	[sflag:s14] =	ssyncset.done $0x0  }
0x16: {  	s16 =	simm.s32 $0x3;
	s15 =	sadd.s32 s26, s20;
	[sflag:s14] =	ssyncadd.s32 $0xFFFF8000  }
0x17: {  	[tilespmem:s2], [sflag:$0x1] =	stream.strided.gather [hbm4b:s15+s4], $0x8000, s5, s4, $0x38;
	[tilespmem:$0x18000] =	vst v63  }
0x18: {  	_ =	swait.ge [sflag:s16], $0x8000  }
0x19: {  	[sflag:s16] =	ssyncset.done $0x0  }
0x1a: {  	s18 =	simm.s32 $0x5;
	s17 =	sadd.s32 s29, s17;
	[sflag:s16] =	ssyncadd.s32 $0xFFFF8000  }
0x1b: {  	[hbm4b:s17+s4] =	stream.strided.scatter [tilespmem:s11], [sflag:$0x6], $0x8000, s5, s4, $0x38;
	[tilespmem:$0x18000] =	vst v63  }
0x1c: {  	_ =	swait.ge [sflag:s18], $0x8000  }
0x1d: {  	s23 =	sor.u32 $0x20, s28;
	[sflag:s18] =	ssyncset.done $0x0  }
0x1e: {  	s19 =	sadd.s32 s26, s23;
	[sflag:s18] =	ssyncadd.s32 $0xFFFF8000  }
0x1f: {  	[tilespmem:s7], [sflag:$0x2] =	stream.strided.gather [hbm4b:s19+s4], $0x8000, s5, s4, $0x38;
	[tilespmem:$0x18000] =	vst v63  }
0x20: {  	_ =	swait.ge [sflag:s8], $0x8000  }
0x21: {  	[sflag:s8] =	ssyncset.done $0x0  }
0x22: {  	s21 =	simm.s32 $0x6;
	s20 =	sadd.s32 s29, s20;
	[sflag:s8] =	ssyncadd.s32 $0xFFFF8000  }
0x23: {  	[hbm4b:s20+s4] =	stream.strided.scatter [tilespmem:s2], [sflag:$0x4], $0x8000, s5, s4, $0x38;
	[tilespmem:$0x18000] =	vst v63  }
0x24: {  	_ =	swait.ge [sflag:s21], $0x8000  }
0x25: {  	s25 =	sor.u32 $0x8020, s28;
	[sflag:s21] =	ssyncset.done $0x0  }
0x26: {  	s22 =	sadd.s32 s26, s25;
	[sflag:s21] =	ssyncadd.s32 $0xFFFF8000  }
0x27: {  	[tilespmem:s11], [sflag:$0x3] =	stream.strided.gather [hbm4b:s22+s4], $0x8000, s5, s4, $0x38;
	[tilespmem:$0x18000] =	vst v63  }
0x28: {  	_ =	swait.ge [sflag:s12], $0x8000  }
0x29: {  	[sflag:s12] =	ssyncset.done $0x0  }
0x2a: {  	s23 =	sadd.s32 s29, s23;
	[sflag:s12] =	ssyncadd.s32 $0xFFFF8000  }
0x2b: {  	[hbm4b:s23+s4] =	stream.strided.scatter [tilespmem:s7], [sflag:$0x5], $0x8000, s5, s4, $0x38;
	[tilespmem:$0x18000] =	vst v63  }
0x2c: {  	_ =	swait.ge [sflag:s14], $0x8000  }
0x2d: {  	s31 =	sor.u32 $0x30, s28;
	[sflag:s14] =	ssyncset.done $0x0  }
0x2e: {  	s24 =	sadd.s32 s26, s31;
	[sflag:s14] =	ssyncadd.s32 $0xFFFF8000  }
0x2f: {  	[tilespmem:s2], [sflag:$0x1] =	stream.strided.gather [hbm4b:s24+s4], $0x8000, s5, s4, $0x38;
	[tilespmem:$0x18000] =	vst v63  }
0x30: {  	_ =	swait.ge [sflag:s16], $0x8000  }
0x31: {  	[sflag:s16] =	ssyncset.done $0x0  }
0x32: {  	s25 =	sadd.s32 s29, s25;
	[sflag:s16] =	ssyncadd.s32 $0xFFFF8000  }
0x33: {  	[hbm4b:s25+s4] =	stream.strided.scatter [tilespmem:s11], [sflag:$0x6], $0x8000, s5, s4, $0x38;
	[tilespmem:$0x18000] =	vst v63  }
0x34: {  	_ =	swait.ge [sflag:s18], $0x8000  }
0x35: {  	s0 =	sor.u32 $0x8030, s28;
	[sflag:s18] =	ssyncset.done $0x0  }
0x36: {  	s26 =	sadd.s32 s26, s0;
	[sflag:s18] =	ssyncadd.s32 $0xFFFF8000  }
0x37: {  	[tilespmem:s7], [sflag:$0x2] =	stream.strided.gather [hbm4b:s26+s4], $0x8000, s5, s4, $0x38;
	[tilespmem:$0x18000] =	vst v63  }
0x38: {  	_ =	swait.ge [sflag:s8], $0x8000  }
0x39: {  	[sflag:s8] =	ssyncset.done $0x0  }
0x3a: {  	s28 =	sadd.s32 s29, s31;
	[sflag:s8] =	ssyncadd.s32 $0xFFFF8000  }
0x3b: {  	[hbm4b:s28+s4] =	stream.strided.scatter [tilespmem:s2], [sflag:$0x4], $0x8000, s5, s4, $0x38;
	[tilespmem:$0x18000] =	vst v63  }
0x3c: {  	_ =	swait.ge [sflag:s12], $0x8000  }
0x3d: {  	s31 =	ssub.s32 $0x2, s30;
	[sflag:s12] =	ssyncset.done $0x0  }
0x3e: {  	s29 =	sadd.s32 s29, s0;
	s30 =	sshrl.u32 s31, $0x1;
	[sflag:s12] =	ssyncadd.s32 $0xFFFF8000  }
0x3f: {  	[hbm4b:s29+s4] =	stream.strided.scatter [tilespmem:s7], [sflag:$0x5], $0x8000, s5, s4, $0x38;
	[tilespmem:$0x18000] =	vst v63  }
0x40: {  	s0 =	ssub.s32 s31, s30;
	_ =	swait.ge [sflag:s14], $0x8000  }
0x41: {  	s0 =	smax.u32 s0, $0x1;
	[sflag:s14] =	ssyncset.done $0x0  }
0x42: {  	p0 =	sne.s32 s0, $0x1;
	[sflag:s14] =	ssyncadd.s32 $0xFFFF8000  }
.Ltmp0:
0x43: {  	_ =	swait.ge [sflag:s18], $0x8000;
	(pc) =	sbr.rel @!p0 .LBB2_2-.Ltmp0, $4  }
0x44: {  	[sflag:s18] =	ssyncset.done $0x0  }
0x45: {  	[sflag:s18] =	ssyncadd.s32 $0xFFFF8000  }
0x46: {  	_ =	swait.ge [sflag:s21], $0x8000  }
0x47: {  	s30 =	sadd.s32 $0xFFFFFFFF, s0;
	[sflag:s21] =	ssyncset.done $0x0  }
.LBB2_1:
0x48: {  	p0 =	sne.s32 s30, $0x1;
	s30 =	sadd.s32 $0xFFFFFFFF, s30;
	[sflag:s21] =	ssyncadd.s32 $0xFFFF8000  }
0x49: {  	[tilespmem:s2], [sflag:$0x1] =	stream.strided.gather [hbm4b:s3+s4], $0x8000, s5, s4, $0x38;
	[tilespmem:$0x18000] =	vst v63  }
0x4a: {  	_ = 	snop  }
0x4b: {  	[tilespmem:s7], [sflag:$0x2] =	stream.strided.gather [hbm4b:s6+s4], $0x8000, s5, s4, $0x38;
	[tilespmem:$0x18000] =	vst v63  }
0x4c: {  	_ =	swait.ge [sflag:s8], $0x8000  }
0x4d: {  	[sflag:s8] =	ssyncset.done $0x0  }
0x4e: {  	[sflag:s8] =	ssyncadd.s32 $0xFFFF8000  }
0x4f: {  	[hbm4b:s9+s4] =	stream.strided.scatter [tilespmem:s2], [sflag:$0x4], $0x8000, s5, s4, $0x38;
	[tilespmem:$0x18000] =	vst v63  }
0x50: {  	_ = 	snop  }
0x51: {  	[tilespmem:s11], [sflag:$0x3] =	stream.strided.gather [hbm4b:s10+s4], $0x8000, s5, s4, $0x38;
	[tilespmem:$0x18000] =	vst v63  }
0x52: {  	_ =	swait.ge [sflag:s12], $0x8000  }
0x53: {  	[sflag:s12] =	ssyncset.done $0x0  }
0x54: {  	[sflag:s12] =	ssyncadd.s32 $0xFFFF8000  }
0x55: {  	[hbm4b:s13+s4] =	stream.strided.scatter [tilespmem:s7], [sflag:$0x5], $0x8000, s5, s4, $0x38;
	[tilespmem:$0x18000] =	vst v63  }
0x56: {  	_ =	swait.ge [sflag:s14], $0x8000  }
0x57: {  	[sflag:s14] =	ssyncset.done $0x0  }
0x58: {  	[sflag:s14] =	ssyncadd.s32 $0xFFFF8000  }
0x59: {  	[tilespmem:s2], [sflag:$0x1] =	stream.strided.gather [hbm4b:s15+s4], $0x8000, s5, s4, $0x38;
	[tilespmem:$0x18000] =	vst v63  }
0x5a: {  	_ =	swait.ge [sflag:s16], $0x8000  }
0x5b: {  	[sflag:s16] =	ssyncset.done $0x0  }
0x5c: {  	[sflag:s16] =	ssyncadd.s32 $0xFFFF8000  }
0x5d: {  	[hbm4b:s17+s4] =	stream.strided.scatter [tilespmem:s11], [sflag:$0x6], $0x8000, s5, s4, $0x38;
	[tilespmem:$0x18000] =	vst v63  }
0x5e: {  	_ =	swait.ge [sflag:s18], $0x8000  }
0x5f: {  	[sflag:s18] =	ssyncset.done $0x0  }
0x60: {  	[sflag:s18] =	ssyncadd.s32 $0xFFFF8000  }
0x61: {  	[tilespmem:s7], [sflag:$0x2] =	stream.strided.gather [hbm4b:s19+s4], $0x8000, s5, s4, $0x38;
	[tilespmem:$0x18000] =	vst v63  }
0x62: {  	_ =	swait.ge [sflag:s8], $0x8000  }
0x63: {  	[sflag:s8] =	ssyncset.done $0x0  }
0x64: {  	[sflag:s8] =	ssyncadd.s32 $0xFFFF8000  }
0x65: {  	[hbm4b:s20+s4] =	stream.strided.scatter [tilespmem:s2], [sflag:$0x4], $0x8000, s5, s4, $0x38;
	[tilespmem:$0x18000] =	vst v63  }
0x66: {  	_ =	swait.ge [sflag:s21], $0x8000  }
0x67: {  	[sflag:s21] =	ssyncset.done $0x0  }
0x68: {  	[sflag:s21] =	ssyncadd.s32 $0xFFFF8000  }
0x69: {  	[tilespmem:s11], [sflag:$0x3] =	stream.strided.gather [hbm4b:s22+s4], $0x8000, s5, s4, $0x38;
	[tilespmem:$0x18000] =	vst v63  }
0x6a: {  	_ =	swait.ge [sflag:s12], $0x8000  }
0x6b: {  	[sflag:s12] =	ssyncset.done $0x0  }
0x6c: {  	[sflag:s12] =	ssyncadd.s32 $0xFFFF8000  }
0x6d: {  	[hbm4b:s23+s4] =	stream.strided.scatter [tilespmem:s7], [sflag:$0x5], $0x8000, s5, s4, $0x38;
	[tilespmem:$0x18000] =	vst v63  }
0x6e: {  	_ =	swait.ge [sflag:s14], $0x8000  }
0x6f: {  	[sflag:s14] =	ssyncset.done $0x0  }
0x70: {  	[sflag:s14] =	ssyncadd.s32 $0xFFFF8000  }
0x71: {  	[tilespmem:s2], [sflag:$0x1] =	stream.strided.gather [hbm4b:s24+s4], $0x8000, s5, s4, $0x38;
	[tilespmem:$0x18000] =	vst v63  }
0x72: {  	_ =	swait.ge [sflag:s16], $0x8000  }
0x73: {  	[sflag:s16] =	ssyncset.done $0x0  }
0x74: {  	[sflag:s16] =	ssyncadd.s32 $0xFFFF8000  }
0x75: {  	[hbm4b:s25+s4] =	stream.strided.scatter [tilespmem:s11], [sflag:$0x6], $0x8000, s5, s4, $0x38;
	[tilespmem:$0x18000] =	vst v63  }
0x76: {  	_ =	swait.ge [sflag:s18], $0x8000  }
0x77: {  	[sflag:s18] =	ssyncset.done $0x0  }
0x78: {  	[sflag:s18] =	ssyncadd.s32 $0xFFFF8000  }
0x79: {  	[tilespmem:s7], [sflag:$0x2] =	stream.strided.gather [hbm4b:s26+s4], $0x8000, s5, s4, $0x38;
	[tilespmem:$0x18000] =	vst v63  }
0x7a: {  	_ =	swait.ge [sflag:s8], $0x8000  }
0x7b: {  	[sflag:s8] =	ssyncset.done $0x0  }
0x7c: {  	[sflag:s8] =	ssyncadd.s32 $0xFFFF8000  }
0x7d: {  	[hbm4b:s28+s4] =	stream.strided.scatter [tilespmem:s2], [sflag:$0x4], $0x8000, s5, s4, $0x38;
	[tilespmem:$0x18000] =	vst v63  }
0x7e: {  	_ =	swait.ge [sflag:s12], $0x8000  }
0x7f: {  	[sflag:s12] =	ssyncset.done $0x0  }
0x80: {  	[sflag:s12] =	ssyncadd.s32 $0xFFFF8000  }
0x81: {  	[hbm4b:s29+s4] =	stream.strided.scatter [tilespmem:s7], [sflag:$0x5], $0x8000, s5, s4, $0x38;
	[tilespmem:$0x18000] =	vst v63  }
0x82: {  	_ =	swait.ge [sflag:s14], $0x8000  }
0x83: {  	[sflag:s14] =	ssyncset.done $0x0  }
0x84: {  	[sflag:s14] =	ssyncadd.s32 $0xFFFF8000  }
.Ltmp1:
0x85: {  	_ =	swait.ge [sflag:s18], $0x8000;
	(pc) =	sbr.rel @p0 .LBB2_1-.Ltmp1, $4  }
0x86: {  	[sflag:s18] =	ssyncset.done $0x0  }
0x87: {  	[sflag:s18] =	ssyncadd.s32 $0xFFFF8000  }
0x88: {  	_ =	swait.ge [sflag:s21], $0x8000  }
0x89: {  	[sflag:s21] =	ssyncset.done $0x0  }
.LBB2_2:
0x8a: {  	[sflag:s21] =	ssyncadd.s32 $0xFFFF8000  }
0x8b: {  	_ =	sfence.sel $0x180000  }
0x8c: {  	[bflag:$0x0] =	sbarrier.arrive $0xFFFF  }
0x8d: {  	_ =	strace $0x90000047  }
0x8e: {  	[bflag:$0x2] =	sbarrier.arrive $0xFFFF  }
0x8f: {  	p0 =	sne.s32 s1, $0x0;
	s0 =	rddreg [dreg:$0x2]  }
0x90: {  	s0 =	sadd.s32 @!p0 $0x100000, s0  }
0x91: {  	[sflag:s0] =	ssyncadd.tile.s32 @!p0 $0x1;
	_ =	shalt  }
.Lfunc_end2:
_tile_overlayer_lowered:
.L_overlay_start_2:
0x92: {  	(tag) =	ssettag $0x2  }
0x93: {  	s0 =	rddreg [dreg:$0x0];
	s2 =	stileid.u32  }
0x94: {  	s1 =	rddreg [dreg:$0x1];
	p0 =	sne.s32 s2, $0x0  }
0x95: {  	s3 =	rddreg [dreg:$0x2];
	[bflag:$0x3] =	sbarrier.arrive $0xFFFF;
	s2 =	simm.s32 @!p0 $0x1C07  }
0x96: {  	[timem:s3], [sflag:s2] =	dma.local @!p0 [hbm:s0], s1  }
0x97: {  	s0 =	simm.s32 @!p0 $0x7  }
0x98: {  	_ =	swait.ge @!p0 [sflag:s0], s1  }
0x99: {  	s1 =	ssub.s32 @!p0 $0x0, s1;
	[sflag:s0] =	ssyncset.done @!p0 $0x0  }
0x9a: {  	[sflag:s0] =	ssyncadd.s32 @!p0 s1  }
0x9b: {  	[bflag:$0x3] =	sbarrier.arrive $0xFFFF  }
0x9c: {  	_ =	shalt  }

</sc_bundles>
